<compile_context>
chip_gen: v7x
topology: tpu7x:2x2x1
jax: 0.10.2.dev20260603
libtpu: 0.0.44.dev20260713+nightly
codegen_flags: <defaults>
</compile_context>

<pallas_src>
import functools

import jax
import jax.numpy as jnp
from jax import lax
from jax.experimental import pallas as pl
from jax.experimental.pallas import tpu as pltpu
from jax.experimental.pallas import tpu_sc as plsc

N = 10000
E = 320000
D = 128
H = 64
C = 7
K = 10
ALPHA = 0.1

FW = 16
FWH = 8
NT = 16
NP = 10240
NPT = NP // NT
CH = 128
NCH = 160
NBUF = 10
LAG = 5
EPT = CH * NCH
EPAD = NT * EPT
PADNODE = NP - 1
NV = NPT * FWH // 16

_mesh = plsc.VectorSubcoreMesh(core_axis_name="c", subcore_axis_name="s",
                               num_cores=1)
_sc_params = pltpu.CompilerParams(use_tc_tiling_on_sc=False,
                                  needs_layout_passes=False)


def _enc_body(x_ref, w1_ref, b1_ref, w2_ref, y_ref):
    h = jnp.maximum(
        jnp.dot(x_ref[...], w1_ref[...], preferred_element_type=jnp.float32,
                precision=lax.Precision.HIGHEST)
        + b1_ref[...], 0.0)
    y = jnp.dot(h, w2_ref[...], preferred_element_type=jnp.float32,
                precision=lax.Precision.HIGHEST)
    i = pl.program_id(0)
    rows = lax.broadcasted_iota(jnp.int32, y.shape, 0) + i * y.shape[0]
    y_ref[...] = jnp.where(rows < N, y, 0.0)


def _encoder(x_p, W1, b1r, W2p):
    blk = 512
    return pl.pallas_call(
        _enc_body,
        grid=(NP // blk,),
        in_specs=[
            pl.BlockSpec((blk, D), lambda i: (i, 0)),
            pl.BlockSpec((D, H), lambda i: (0, 0)),
            pl.BlockSpec((1, H), lambda i: (0, 0)),
            pl.BlockSpec((H, FW), lambda i: (0, 0)),
        ],
        out_specs=pl.BlockSpec((blk, FW), lambda i: (i, 0)),
        out_shape=jax.ShapeDtypeStruct((NP, FW), jnp.float32),
    )(x_p, W1, b1r, W2p)


def _rsqrt16(d):
    i = plsc.bitcast(d, jnp.int32)
    i = jnp.int32(0x5F3759DF) - lax.shift_right_logical(i, 1)
    y = plsc.bitcast(i, jnp.float32)
    for _ in range(3):
        y = y * (1.5 - 0.5 * d * y * y)
    return y


@functools.partial(
    pl.kernel,
    mesh=_mesh,
    out_type=jax.ShapeDtypeStruct((NP, FWH), jnp.float32),
    scratch_types=[
        pltpu.VMEM((NCH, CH), jnp.int32),
        pltpu.VMEM((NCH, CH), jnp.int32),
        pltpu.VMEM((NBUF, CH, FWH), jnp.float32),
        pltpu.VMEM((CH, FWH), jnp.float32),
        pltpu.VMEM((NPT, FWH), jnp.float32),
        pltpu.VMEM((NPT, FWH), jnp.float32),
        pltpu.VMEM((NPT, FWH), jnp.float32),
        pltpu.VMEM((NPT, FWH), jnp.float32),
        pltpu.VMEM((NPT, FWH), jnp.float32),
        pltpu.VMEM((NPT, FWH), jnp.float32),
        pltpu.VMEM((16,), jnp.float32),
        pltpu.VMEM_SHARED((NP, FWH), jnp.float32),
        pltpu.VMEM_SHARED((NP, FWH), jnp.float32),
        pltpu.SemaphoreType.DMA((NBUF,)),
        pltpu.SemaphoreType.DMA((NBUF,)),
    ],
    compiler_params=_sc_params,
)
def _prop_kernel(src_hbm, dst_hbm, y0_hbm, ones8, zero8, b2_hbm, out_hbm,
                 src_idx, dst_idx, rows, ones_t, u_t, c1_t, g_t, agg_t, sq_t,
                 zero_t, b2_t, acc, u_sp, gsem, ssem):
    w = lax.axis_index("s")
    sl = pl.ds(w * NPT, NPT)
    lanes = lax.iota(jnp.int32, 16)

    pltpu.sync_copy(src_hbm.at[w], src_idx)
    pltpu.sync_copy(dst_hbm.at[w], dst_idx)
    pltpu.sync_copy(y0_hbm.at[sl], u_t)
    pltpu.sync_copy(ones8, ones_t)
    pltpu.sync_copy(zero8, zero_t)
    pltpu.sync_copy(b2_hbm, b2_t)
    pltpu.sync_copy(zero_t, acc.at[sl])
    plsc.subcore_barrier()

    def dchunk(c, _):
        pltpu.sync_copy(ones_t, acc.at[dst_idx.at[c]], add=True)
        return 0
    lax.fori_loop(0, NCH, dchunk, 0)
    plsc.subcore_barrier()

    pltpu.sync_copy(acc.at[sl], agg_t)
    pltpu.sync_copy(zero_t, acc.at[sl])

    def pre(i, _):
        f = i * 16 + lanes
        r = lax.shift_right_logical(f, 3)
        col = lax.bitwise_and(f, 7)
        d = plsc.load_gather(agg_t, [r, col]) + 1.0
        rs = _rsqrt16(d)
        u0 = plsc.load_gather(u_t, [r, col]) * rs
        plsc.store_scatter(u_t, [r, col], u0)
        plsc.store_scatter(c1_t, [r, col], (1.0 - ALPHA) / d)
        plsc.store_scatter(g_t, [r, col], ALPHA * u0)
        plsc.store_scatter(sq_t, [r, col], d * rs)
        return 0
    lax.fori_loop(0, NV, pre, 0)

    pltpu.sync_copy(u_t, u_sp.at[sl])
    plsc.subcore_barrier()

    def step(k, _):
        for b in range(LAG):
            pltpu.async_copy(u_sp.at[src_idx.at[b]], rows.at[b], gsem.at[b])

        def ring(j, _c):
            for b in range(NBUF):
                c = j * NBUF + b
                bn = (b + LAG) % NBUF
                pltpu.make_async_copy(
                    u_sp.at[src_idx.at[c]], rows.at[b], gsem.at[b]).wait()
                pltpu.async_copy(rows.at[b], acc.at[dst_idx.at[c]],
                                 ssem.at[b], add=True)

                @pl.when((c >= NBUF - LAG) & (c + LAG < NCH))
                def _():
                    pltpu.make_async_copy(
                        rows.at[bn], acc.at[dst_idx.at[0]], ssem.at[bn]).wait()

                @pl.when(c + LAG < NCH)
                def _():
                    pltpu.async_copy(u_sp.at[src_idx.at[c + LAG]],
                                     rows.at[bn], gsem.at[bn])
            return 0
        lax.fori_loop(0, NCH // NBUF, ring, 0)
        for b in range(NBUF):
            pltpu.make_async_copy(
                rows.at[b], acc.at[dst_idx.at[0]], ssem.at[b]).wait()
        plsc.subcore_barrier()

        pltpu.sync_copy(acc.at[sl], agg_t)
        pltpu.sync_copy(zero_t, acc.at[sl])

        def upd(i, _u):
            f = i * 16 + lanes
            r = lax.shift_right_logical(f, 3)
            col = lax.bitwise_and(f, 7)
            a = plsc.load_gather(agg_t, [r, col])
            u = plsc.load_gather(u_t, [r, col])
            c1v = plsc.load_gather(c1_t, [r, col])
            gv = plsc.load_gather(g_t, [r, col])
            plsc.store_scatter(u_t, [r, col], c1v * (a + u) + gv)
            return 0
        lax.fori_loop(0, NV, upd, 0)

        pltpu.sync_copy(u_t, u_sp.at[sl])
        plsc.subcore_barrier()
        return 0

    lax.fori_loop(0, K, step, 0)

    b2v = b2_t[...]

    def fin(i, _):
        f = i * 16 + lanes
        r = lax.shift_right_logical(f, 3)
        col = lax.bitwise_and(f, 7)
        u = plsc.load_gather(u_t, [r, col])
        sq = plsc.load_gather(sq_t, [r, col])
        plsc.store_scatter(g_t, [r, col], sq * u + b2v)
        return 0
    lax.fori_loop(0, NV, fin, 0)
    pltpu.sync_copy(g_t, out_hbm.at[sl])


def kernel(x, edge_index, W1, b1, W2, b2):
    src = edge_index[0]
    dst = edge_index[1]
    pad = jnp.full((EPAD - E,), PADNODE, dtype=jnp.int32)
    src3 = jnp.concatenate([src, pad]).reshape(NT, NCH, CH)
    dst3 = jnp.concatenate([dst, pad]).reshape(NT, NCH, CH)
    x_p = jnp.pad(x, ((0, NP - N), (0, 0)))
    b1r = b1.reshape(1, H)
    W2p = jnp.pad(W2, ((0, 0), (0, FW - C)))
    b2v = jnp.tile(jnp.pad(b2, (0, FWH - C)), 2)
    zero8 = jnp.zeros((NPT, FWH), jnp.float32)
    ones8 = jnp.ones((CH, FWH), jnp.float32)

    y0 = _encoder(x_p, W1, b1r, W2p)
    out8 = _prop_kernel(src3, dst3, y0[:, :FWH], ones8, zero8, b2v)
    return out8[:N, :C]

# --- scband reference (transcript-rebuilt; emitter-appended) ---
"""Pipeline reference for scband-appnnet-76278619177597 (READ-ONLY COPY).

The authoritative reference and input builder live on the scoring server;
editing this copy changes nothing except your own understanding.
"""

import jax, jax.numpy as jnp
import numpy as np

N = 10000
E = 320000
D = 128
H = 64
C = 7
K = 10
ALPHA = 0.1


def setup_inputs(seed: int = 0) -> dict:
    key = jax.random.key(seed)
    ks = jax.random.split(key, 6)
    x = jax.random.normal(ks[0], (N, D), dtype=jnp.float32)
    edge_index = jax.random.randint(ks[1], (2, E), 0, N, dtype=jnp.int32)
    # Linear params stored as [in, out] so forward is x @ W + b (equivalent to torch x @ W.T + b)
    W1 = jax.random.normal(ks[2], (D, H), dtype=jnp.float32) * (1.0 / np.sqrt(D))
    b1 = jax.random.normal(ks[3], (H,), dtype=jnp.float32) * 0.01
    W2 = jax.random.normal(ks[4], (H, C), dtype=jnp.float32) * (1.0 / np.sqrt(H))
    b2 = jax.random.normal(ks[5], (C,), dtype=jnp.float32) * 0.01
    return {"x": x, "edge_index": edge_index, "W1": W1, "b1": b1, "W2": W2, "b2": b2}


def reference(x, edge_index, W1, b1, W2, b2):
    # MLP encoder (dropout is identity in eval mode)
    h = jax.nn.relu(x @ W1 + b1)
    # APPNP: GCN-style symmetric normalization with added self-loops
    src = edge_index[0]
    dst = edge_index[1]
    loop = jnp.arange(N, dtype=src.dtype)
    src = jnp.concatenate([src, loop])
    dst = jnp.concatenate([dst, loop])
    deg = jnp.zeros((N,), dtype=x.dtype).at[dst].add(1.0)
    dinv = jnp.where(deg > 0, jax.lax.rsqrt(jnp.maximum(deg, 1e-12)), 0.0)
    norm = dinv[src] * dinv[dst]
    # K-step personalized PageRank propagation: z = (1-a) * A_hat z + a * h
    z = h
    for _ in range(K):
        msg = z[src] * norm[:, None]
        agg = jnp.zeros_like(z).at[dst].add(msg)
        z = (1.0 - ALPHA) * agg + ALPHA * h
    return z @ W2 + b2

if __name__ == "__main__":
    import jax
    _d = setup_inputs()
    print(jax.jit(kernel)(*tuple(_d.values())))

</pallas_src>

<mosaic_0001>
#map = affine_map<(d0, d1) -> (0, 0, 0)>
#map1 = affine_map<(d0, d1) -> (0, 0)>
#map2 = affine_map<(d0, d1) -> (0)>
module attributes {stable_mosaic.version = 14 : i64} {
  func.func @_prop_kernel(%arg0: i32, %arg1: i32, %arg2: memref<16x160x128xi32, #tpu.memory_space<hbm>>, %arg3: memref<16x160x128xi32, #tpu.memory_space<hbm>>, %arg4: memref<10240x8xf32, #tpu.memory_space<hbm>>, %arg5: memref<128x8xf32, #tpu.memory_space<hbm>>, %arg6: memref<640x8xf32, #tpu.memory_space<hbm>>, %arg7: memref<16xf32, #tpu.memory_space<hbm>>, %arg8: memref<10240x8xf32, #tpu.memory_space<hbm>>, %arg9: memref<160x128xi32, #tpu.memory_space<vmem>>, %arg10: memref<160x128xi32, #tpu.memory_space<vmem>>, %arg11: memref<10x128x8xf32, #tpu.memory_space<vmem>>, %arg12: memref<128x8xf32, #tpu.memory_space<vmem>>, %arg13: memref<640x8xf32, #tpu.memory_space<vmem>>, %arg14: memref<640x8xf32, #tpu.memory_space<vmem>>, %arg15: memref<640x8xf32, #tpu.memory_space<vmem>>, %arg16: memref<640x8xf32, #tpu.memory_space<vmem>>, %arg17: memref<640x8xf32, #tpu.memory_space<vmem>>, %arg18: memref<640x8xf32, #tpu.memory_space<vmem>>, %arg19: memref<16xf32, #tpu.memory_space<vmem>>, %arg20: memref<10240x8xf32, #tpu.memory_space<vmem_shared>>, %arg21: memref<10240x8xf32, #tpu.memory_space<vmem_shared>>, %arg22: memref<10x!tpu.dma_semaphore, #tpu.memory_space<semaphore_mem>>, %arg23: memref<10x!tpu.dma_semaphore, #tpu.memory_space<semaphore_mem>>) attributes {dimension_semantics = [#tpu.dimension_semantics<core_parallel>, #tpu.dimension_semantics<subcore_parallel>], iteration_bounds = array<i64: 1, 16>, scalar_prefetch = 0 : i64, scratch_operands = 15 : i64, tpu.core_type = #tpu.core_type<sc_vector_subcore>, window_params = [{transform_indices = #map}, {transform_indices = #map}, {transform_indices = #map1}, {transform_indices = #map1}, {transform_indices = #map1}, {transform_indices = #map2}, {transform_indices = #map1}]} {
    %mul3A = arith.constant 640 : i32
    %mul3A_0 = arith.muli %arg1, %mul3A : i32
    %iota3A = tpu.iota {dimensions = array<i32: 0>} : vector<16xi32>
    "tpu.region"() ({
      %run_scoped3A = tpu.sem_alloc : memref<!tpu.dma_semaphore, #tpu.memory_space<semaphore_mem>>
      %dma_start3A = arith.constant 0 : i32
      %dma_start3A_31 = arith.constant 0 : i32
      %dma_start3A_32 = tpu.memref_slice %arg2[%arg1, %dma_start3A, %dma_start3A_31] : memref<16x160x128xi32, #tpu.memory_space<hbm>> -> memref<1x160x128xi32, #tpu.memory_space<hbm>>
      %dma_start3A_33 = tpu.memref_squeeze %dma_start3A_32 : memref<1x160x128xi32, #tpu.memory_space<hbm>> -> memref<160x128xi32, #tpu.memory_space<hbm>>
      %dma_start3A_34 = arith.constant 0 : i32
      %dma_start3A_35 = arith.constant 0 : i32
      %dma_start3A_36 = tpu.memref_slice %arg2[%arg1, %dma_start3A_34, %dma_start3A_35] : memref<16x160x128xi32, #tpu.memory_space<hbm>> -> memref<1x160x128xi32, #tpu.memory_space<hbm>>
      %dma_start3A_37 = tpu.memref_squeeze %dma_start3A_36 : memref<1x160x128xi32, #tpu.memory_space<hbm>> -> memref<160x128xi32, #tpu.memory_space<hbm>>
      tpu.enqueue_dma source(%dma_start3A_37 : memref<160x128xi32, #tpu.memory_space<hbm>>) target(%arg9 : memref<160x128xi32, #tpu.memory_space<vmem>>) target_semaphore(%run_scoped3A : memref<!tpu.dma_semaphore, #tpu.memory_space<semaphore_mem>>)
      %dma_wait3A = arith.constant 0 : i32
      %dma_wait3A_38 = arith.constant 0 : i32
      %dma_wait3A_39 = tpu.memref_slice %arg2[%arg1, %dma_wait3A, %dma_wait3A_38] : memref<16x160x128xi32, #tpu.memory_space<hbm>> -> memref<1x160x128xi32, #tpu.memory_space<hbm>>
      %dma_wait3A_40 = tpu.memref_squeeze %dma_wait3A_39 : memref<1x160x128xi32, #tpu.memory_space<hbm>> -> memref<160x128xi32, #tpu.memory_space<hbm>>
      %dma_wait3A_41 = arith.constant 0 : i32
      %dma_wait3A_42 = arith.constant 0 : i32
      %dma_wait3A_43 = tpu.memref_slice %arg2[%arg1, %dma_wait3A_41, %dma_wait3A_42] : memref<16x160x128xi32, #tpu.memory_space<hbm>> -> memref<1x160x128xi32, #tpu.memory_space<hbm>>
      %dma_wait3A_44 = tpu.memref_squeeze %dma_wait3A_43 : memref<1x160x128xi32, #tpu.memory_space<hbm>> -> memref<160x128xi32, #tpu.memory_space<hbm>>
      tpu.wait_dma2 semaphore(%run_scoped3A : memref<!tpu.dma_semaphore, #tpu.memory_space<semaphore_mem>>) src(%dma_wait3A_44 : memref<160x128xi32, #tpu.memory_space<hbm>>) dst(%arg9 : memref<160x128xi32, #tpu.memory_space<vmem>>)
      tpu.yield
    }) : () -> ()
    "tpu.region"() ({
      %run_scoped3A = tpu.sem_alloc : memref<!tpu.dma_semaphore, #tpu.memory_space<semaphore_mem>>
      %dma_start3A = arith.constant 0 : i32
      %dma_start3A_31 = arith.constant 0 : i32
      %dma_start3A_32 = tpu.memref_slice %arg3[%arg1, %dma_start3A, %dma_start3A_31] : memref<16x160x128xi32, #tpu.memory_space<hbm>> -> memref<1x160x128xi32, #tpu.memory_space<hbm>>
      %dma_start3A_33 = tpu.memref_squeeze %dma_start3A_32 : memref<1x160x128xi32, #tpu.memory_space<hbm>> -> memref<160x128xi32, #tpu.memory_space<hbm>>
      %dma_start3A_34 = arith.constant 0 : i32
      %dma_start3A_35 = arith.constant 0 : i32
      %dma_start3A_36 = tpu.memref_slice %arg3[%arg1, %dma_start3A_34, %dma_start3A_35] : memref<16x160x128xi32, #tpu.memory_space<hbm>> -> memref<1x160x128xi32, #tpu.memory_space<hbm>>
      %dma_start3A_37 = tpu.memref_squeeze %dma_start3A_36 : memref<1x160x128xi32, #tpu.memory_space<hbm>> -> memref<160x128xi32, #tpu.memory_space<hbm>>
      tpu.enqueue_dma source(%dma_start3A_37 : memref<160x128xi32, #tpu.memory_space<hbm>>) target(%arg10 : memref<160x128xi32, #tpu.memory_space<vmem>>) target_semaphore(%run_scoped3A : memref<!tpu.dma_semaphore, #tpu.memory_space<semaphore_mem>>)
      %dma_wait3A = arith.constant 0 : i32
      %dma_wait3A_38 = arith.constant 0 : i32
      %dma_wait3A_39 = tpu.memref_slice %arg3[%arg1, %dma_wait3A, %dma_wait3A_38] : memref<16x160x128xi32, #tpu.memory_space<hbm>> -> memref<1x160x128xi32, #tpu.memory_space<hbm>>
      %dma_wait3A_40 = tpu.memref_squeeze %dma_wait3A_39 : memref<1x160x128xi32, #tpu.memory_space<hbm>> -> memref<160x128xi32, #tpu.memory_space<hbm>>
      %dma_wait3A_41 = arith.constant 0 : i32
      %dma_wait3A_42 = arith.constant 0 : i32
      %dma_wait3A_43 = tpu.memref_slice %arg3[%arg1, %dma_wait3A_41, %dma_wait3A_42] : memref<16x160x128xi32, #tpu.memory_space<hbm>> -> memref<1x160x128xi32, #tpu.memory_space<hbm>>
      %dma_wait3A_44 = tpu.memref_squeeze %dma_wait3A_43 : memref<1x160x128xi32, #tpu.memory_space<hbm>> -> memref<160x128xi32, #tpu.memory_space<hbm>>
      tpu.wait_dma2 semaphore(%run_scoped3A : memref<!tpu.dma_semaphore, #tpu.memory_space<semaphore_mem>>) src(%dma_wait3A_44 : memref<160x128xi32, #tpu.memory_space<hbm>>) dst(%arg10 : memref<160x128xi32, #tpu.memory_space<vmem>>)
      tpu.yield
    }) : () -> ()
    "tpu.region"() ({
      %run_scoped3A = tpu.sem_alloc : memref<!tpu.dma_semaphore, #tpu.memory_space<semaphore_mem>>
      %dma_start3A = arith.constant 0 : i32
      %dma_start3A_31 = tpu.memref_slice %arg4[%mul3A_0, %dma_start3A] : memref<10240x8xf32, #tpu.memory_space<hbm>> -> memref<640x8xf32, #tpu.memory_space<hbm>>
      %dma_start3A_32 = arith.constant 0 : i32
      %dma_start3A_33 = tpu.memref_slice %arg4[%mul3A_0, %dma_start3A_32] : memref<10240x8xf32, #tpu.memory_space<hbm>> -> memref<640x8xf32, #tpu.memory_space<hbm>>
      tpu.enqueue_dma source(%dma_start3A_33 : memref<640x8xf32, #tpu.memory_space<hbm>>) target(%arg13 : memref<640x8xf32, #tpu.memory_space<vmem>>) target_semaphore(%run_scoped3A : memref<!tpu.dma_semaphore, #tpu.memory_space<semaphore_mem>>)
      %dma_wait3A = arith.constant 0 : i32
      %dma_wait3A_34 = tpu.memref_slice %arg4[%mul3A_0, %dma_wait3A] : memref<10240x8xf32, #tpu.memory_space<hbm>> -> memref<640x8xf32, #tpu.memory_space<hbm>>
      %dma_wait3A_35 = arith.constant 0 : i32
      %dma_wait3A_36 = tpu.memref_slice %arg4[%mul3A_0, %dma_wait3A_35] : memref<10240x8xf32, #tpu.memory_space<hbm>> -> memref<640x8xf32, #tpu.memory_space<hbm>>
      tpu.wait_dma2 semaphore(%run_scoped3A : memref<!tpu.dma_semaphore, #tpu.memory_space<semaphore_mem>>) src(%dma_wait3A_36 : memref<640x8xf32, #tpu.memory_space<hbm>>) dst(%arg13 : memref<640x8xf32, #tpu.memory_space<vmem>>)
      tpu.yield
    }) : () -> ()
    "tpu.region"() ({
      %run_scoped3A = tpu.sem_alloc : memref<!tpu.dma_semaphore, #tpu.memory_space<semaphore_mem>>
      tpu.enqueue_dma source(%arg5 : memref<128x8xf32, #tpu.memory_space<hbm>>) target(%arg12 : memref<128x8xf32, #tpu.memory_space<vmem>>) target_semaphore(%run_scoped3A : memref<!tpu.dma_semaphore, #tpu.memory_space<semaphore_mem>>)
      tpu.wait_dma2 semaphore(%run_scoped3A : memref<!tpu.dma_semaphore, #tpu.memory_space<semaphore_mem>>) src(%arg5 : memref<128x8xf32, #tpu.memory_space<hbm>>) dst(%arg12 : memref<128x8xf32, #tpu.memory_space<vmem>>)
      tpu.yield
    }) : () -> ()
    "tpu.region"() ({
      %run_scoped3A = tpu.sem_alloc : memref<!tpu.dma_semaphore, #tpu.memory_space<semaphore_mem>>
      tpu.enqueue_dma source(%arg6 : memref<640x8xf32, #tpu.memory_space<hbm>>) target(%arg18 : memref<640x8xf32, #tpu.memory_space<vmem>>) target_semaphore(%run_scoped3A : memref<!tpu.dma_semaphore, #tpu.memory_space<semaphore_mem>>)
      tpu.wait_dma2 semaphore(%run_scoped3A : memref<!tpu.dma_semaphore, #tpu.memory_space<semaphore_mem>>) src(%arg6 : memref<640x8xf32, #tpu.memory_space<hbm>>) dst(%arg18 : memref<640x8xf32, #tpu.memory_space<vmem>>)
      tpu.yield
    }) : () -> ()
    "tpu.region"() ({
      %run_scoped3A = tpu.sem_alloc : memref<!tpu.dma_semaphore, #tpu.memory_space<semaphore_mem>>
      tpu.enqueue_dma source(%arg7 : memref<16xf32, #tpu.memory_space<hbm>>) target(%arg19 : memref<16xf32, #tpu.memory_space<vmem>>) target_semaphore(%run_scoped3A : memref<!tpu.dma_semaphore, #tpu.memory_space<semaphore_mem>>)
      tpu.wait_dma2 semaphore(%run_scoped3A : memref<!tpu.dma_semaphore, #tpu.memory_space<semaphore_mem>>) src(%arg7 : memref<16xf32, #tpu.memory_space<hbm>>) dst(%arg19 : memref<16xf32, #tpu.memory_space<vmem>>)
      tpu.yield
    }) : () -> ()
    "tpu.region"() ({
      %run_scoped3A = tpu.sem_alloc : memref<!tpu.dma_semaphore, #tpu.memory_space<semaphore_mem>>
      %dma_start3A = arith.constant 0 : i32
      %dma_start3A_31 = tpu.memref_slice %arg20[%mul3A_0, %dma_start3A] : memref<10240x8xf32, #tpu.memory_space<vmem_shared>> -> memref<640x8xf32, #tpu.memory_space<vmem_shared>>
      %dma_start3A_32 = arith.constant 0 : i32
      %dma_start3A_33 = tpu.memref_slice %arg20[%mul3A_0, %dma_start3A_32] : memref<10240x8xf32, #tpu.memory_space<vmem_shared>> -> memref<640x8xf32, #tpu.memory_space<vmem_shared>>
      tpu.enqueue_dma source(%arg18 : memref<640x8xf32, #tpu.memory_space<vmem>>) target(%dma_start3A_33 : memref<640x8xf32, #tpu.memory_space<vmem_shared>>) target_semaphore(%run_scoped3A : memref<!tpu.dma_semaphore, #tpu.memory_space<semaphore_mem>>)
      %dma_wait3A = arith.constant 0 : i32
      %dma_wait3A_34 = tpu.memref_slice %arg20[%mul3A_0, %dma_wait3A] : memref<10240x8xf32, #tpu.memory_space<vmem_shared>> -> memref<640x8xf32, #tpu.memory_space<vmem_shared>>
      %dma_wait3A_35 = arith.constant 0 : i32
      %dma_wait3A_36 = tpu.memref_slice %arg20[%mul3A_0, %dma_wait3A_35] : memref<10240x8xf32, #tpu.memory_space<vmem_shared>> -> memref<640x8xf32, #tpu.memory_space<vmem_shared>>
      tpu.wait_dma2 semaphore(%run_scoped3A : memref<!tpu.dma_semaphore, #tpu.memory_space<semaphore_mem>>) src(%arg18 : memref<640x8xf32, #tpu.memory_space<vmem>>) dst(%dma_wait3A_36 : memref<640x8xf32, #tpu.memory_space<vmem_shared>>)
      tpu.yield
    }) : () -> ()
    %barrier3A = arith.constant 0 : index
    tpu.barrier barrier_id(%barrier3A)
    %scan3A = arith.constant 0 : i32
    %scan3A_1 = arith.constant 0 : i32
    %scan3A_2 = arith.constant 160 : i32
    %scan3A_3 = arith.addi %scan3A_1, %scan3A_2 : i32
    %scan3A_4 = arith.constant 1 : i32
    %scan3A_5 = scf.for %scan3A_31 = %scan3A_1 to %scan3A_3 step %scan3A_4 iter_args(%scan3A_32 = %scan3A) -> (i32)  : i32 {
      "tpu.region"() ({
        %run_scoped3A = tpu.sem_alloc : memref<!tpu.dma_semaphore, #tpu.memory_space<semaphore_mem>>
        %dma_start3A = arith.constant 0 : i32
        %dma_start3A_34 = tpu.memref_slice %arg10[%scan3A_31, %dma_start3A] : memref<160x128xi32, #tpu.memory_space<vmem>> -> memref<1x128xi32, #tpu.memory_space<vmem>>
        %dma_start3A_35 = tpu.memref_squeeze %dma_start3A_34 : memref<1x128xi32, #tpu.memory_space<vmem>> -> memref<128xi32, #tpu.memory_space<vmem>>
        %dma_start3A_36 = arith.constant 0 : i32
        %dma_start3A_37 = arith.constant 0 : i32
        %dma_start3A_38 = tpu.memref_slice %arg20[%dma_start3A_36, %dma_start3A_37] : memref<10240x8xf32, #tpu.memory_space<vmem_shared>> -> memref<10240x8xf32, #tpu.memory_space<vmem_shared>>
        tpu.enqueue_indirect_dma source(%arg12 : memref<128x8xf32, #tpu.memory_space<vmem>>) target(%dma_start3A_38 : memref<10240x8xf32, #tpu.memory_space<vmem_shared>>) offsets(%dma_start3A_35 : memref<128xi32, #tpu.memory_space<vmem>>) semaphore(%run_scoped3A : memref<!tpu.dma_semaphore, #tpu.memory_space<semaphore_mem>>) {add = true}
        %dma_wait3A = arith.constant 0 : i32
        %dma_wait3A_39 = tpu.memref_slice %arg10[%scan3A_31, %dma_wait3A] : memref<160x128xi32, #tpu.memory_space<vmem>> -> memref<1x128xi32, #tpu.memory_space<vmem>>
        %dma_wait3A_40 = tpu.memref_squeeze %dma_wait3A_39 : memref<1x128xi32, #tpu.memory_space<vmem>> -> memref<128xi32, #tpu.memory_space<vmem>>
        %dma_wait3A_41 = arith.constant 0 : i32
        %dma_wait3A_42 = arith.constant 0 : i32
        %dma_wait3A_43 = tpu.memref_slice %arg20[%dma_wait3A_41, %dma_wait3A_42] : memref<10240x8xf32, #tpu.memory_space<vmem_shared>> -> memref<10240x8xf32, #tpu.memory_space<vmem_shared>>
        tpu.wait_indirect_dma semaphore(%run_scoped3A : memref<!tpu.dma_semaphore, #tpu.memory_space<semaphore_mem>>) src(%arg12 : memref<128x8xf32, #tpu.memory_space<vmem>>) dst(%dma_wait3A_43 : memref<10240x8xf32, #tpu.memory_space<vmem_shared>>)
        tpu.yield
      }) : () -> ()
      %scan3A_33 = arith.constant 0 : i32
      scf.yield %scan3A_33 : i32
    }
    %scan3A_6 = arith.constant 160 : i32
    %barrier3A_7 = arith.constant 0 : index
    tpu.barrier barrier_id(%barrier3A_7)
    "tpu.region"() ({
      %run_scoped3A = tpu.sem_alloc : memref<!tpu.dma_semaphore, #tpu.memory_space<semaphore_mem>>
      %dma_start3A = arith.constant 0 : i32
      %dma_start3A_31 = tpu.memref_slice %arg20[%mul3A_0, %dma_start3A] : memref<10240x8xf32, #tpu.memory_space<vmem_shared>> -> memref<640x8xf32, #tpu.memory_space<vmem_shared>>
      %dma_start3A_32 = arith.constant 0 : i32
      %dma_start3A_33 = tpu.memref_slice %arg20[%mul3A_0, %dma_start3A_32] : memref<10240x8xf32, #tpu.memory_space<vmem_shared>> -> memref<640x8xf32, #tpu.memory_space<vmem_shared>>
      tpu.enqueue_dma source(%dma_start3A_33 : memref<640x8xf32, #tpu.memory_space<vmem_shared>>) target(%arg16 : memref<640x8xf32, #tpu.memory_space<vmem>>) target_semaphore(%run_scoped3A : memref<!tpu.dma_semaphore, #tpu.memory_space<semaphore_mem>>)
      %dma_wait3A = arith.constant 0 : i32
      %dma_wait3A_34 = tpu.memref_slice %arg20[%mul3A_0, %dma_wait3A] : memref<10240x8xf32, #tpu.memory_space<vmem_shared>> -> memref<640x8xf32, #tpu.memory_space<vmem_shared>>
      %dma_wait3A_35 = arith.constant 0 : i32
      %dma_wait3A_36 = tpu.memref_slice %arg20[%mul3A_0, %dma_wait3A_35] : memref<10240x8xf32, #tpu.memory_space<vmem_shared>> -> memref<640x8xf32, #tpu.memory_space<vmem_shared>>
      tpu.wait_dma2 semaphore(%run_scoped3A : memref<!tpu.dma_semaphore, #tpu.memory_space<semaphore_mem>>) src(%dma_wait3A_36 : memref<640x8xf32, #tpu.memory_space<vmem_shared>>) dst(%arg16 : memref<640x8xf32, #tpu.memory_space<vmem>>)
      tpu.yield
    }) : () -> ()
    "tpu.region"() ({
      %run_scoped3A = tpu.sem_alloc : memref<!tpu.dma_semaphore, #tpu.memory_space<semaphore_mem>>
      %dma_start3A = arith.constant 0 : i32
      %dma_start3A_31 = tpu.memref_slice %arg20[%mul3A_0, %dma_start3A] : memref<10240x8xf32, #tpu.memory_space<vmem_shared>> -> memref<640x8xf32, #tpu.memory_space<vmem_shared>>
      %dma_start3A_32 = arith.constant 0 : i32
      %dma_start3A_33 = tpu.memref_slice %arg20[%mul3A_0, %dma_start3A_32] : memref<10240x8xf32, #tpu.memory_space<vmem_shared>> -> memref<640x8xf32, #tpu.memory_space<vmem_shared>>
      tpu.enqueue_dma source(%arg18 : memref<640x8xf32, #tpu.memory_space<vmem>>) target(%dma_start3A_33 : memref<640x8xf32, #tpu.memory_space<vmem_shared>>) target_semaphore(%run_scoped3A : memref<!tpu.dma_semaphore, #tpu.memory_space<semaphore_mem>>)
      %dma_wait3A = arith.constant 0 : i32
      %dma_wait3A_34 = tpu.memref_slice %arg20[%mul3A_0, %dma_wait3A] : memref<10240x8xf32, #tpu.memory_space<vmem_shared>> -> memref<640x8xf32, #tpu.memory_space<vmem_shared>>
      %dma_wait3A_35 = arith.constant 0 : i32
      %dma_wait3A_36 = tpu.memref_slice %arg20[%mul3A_0, %dma_wait3A_35] : memref<10240x8xf32, #tpu.memory_space<vmem_shared>> -> memref<640x8xf32, #tpu.memory_space<vmem_shared>>
      tpu.wait_dma2 semaphore(%run_scoped3A : memref<!tpu.dma_semaphore, #tpu.memory_space<semaphore_mem>>) src(%arg18 : memref<640x8xf32, #tpu.memory_space<vmem>>) dst(%dma_wait3A_36 : memref<640x8xf32, #tpu.memory_space<vmem_shared>>)
      tpu.yield
    }) : () -> ()
    %scan3A_8 = arith.constant 0 : i32
    %scan3A_9 = arith.constant 0 : i32
    %scan3A_10 = arith.constant 320 : i32
    %scan3A_11 = arith.addi %scan3A_9, %scan3A_10 : i32
    %scan3A_12 = arith.constant 1 : i32
    %scan3A_13 = scf.for %scan3A_31 = %scan3A_9 to %scan3A_11 step %scan3A_12 iter_args(%scan3A_32 = %scan3A_8) -> (i32)  : i32 {
      %mul3A_33 = arith.constant 16 : i32
      %mul3A_34 = arith.muli %scan3A_31, %mul3A_33 : i32
      %add3A = vector.broadcast %mul3A_34 : i32 to vector<16xi32>
      %add3A_35 = arith.addi %add3A, %iota3A : vector<16xi32>
      %shift_right_logical3A = arith.constant 3 : i32
      %shift_right_logical3A_36 = vector.broadcast %shift_right_logical3A : i32 to vector<16xi32>
      %shift_right_logical3A_37 = arith.shrui %add3A_35, %shift_right_logical3A_36 : vector<16xi32>
      %and3A = arith.constant 7 : i32
      %and3A_38 = vector.broadcast %and3A : i32 to vector<16xi32>
      %and3A_39 = arith.andi %add3A_35, %and3A_38 : vector<16xi32>
      %gather3A = tpu.vector_load_idx %arg16[%shift_right_logical3A_37, %and3A_39] : memref<640x8xf32, #tpu.memory_space<vmem>>[vector<16xi32>, vector<16xi32>], vector<16xf32>,
      %add3A_40 = arith.constant 1.000000e+00 : f32
      %add3A_41 = vector.broadcast %add3A_40 : f32 to vector<16xf32>
      %add3A_42 = arith.addf %gather3A, %add3A_41 : vector<16xf32>
      %bitcast3A = vector.bitcast %add3A_42 : vector<16xf32> to vector<16xi32>
      %shift_right_logical3A_43 = arith.constant 1 : i32
      %shift_right_logical3A_44 = vector.broadcast %shift_right_logical3A_43 : i32 to vector<16xi32>
      %shift_right_logical3A_45 = arith.shrui %bitcast3A, %shift_right_logical3A_44 : vector<16xi32>
      %sub3A = arith.constant 1597463007 : i32
      %sub3A_46 = vector.broadcast %sub3A : i32 to vector<16xi32>
      %sub3A_47 = arith.subi %sub3A_46, %shift_right_logical3A_45 : vector<16xi32>
      %bitcast3A_48 = vector.bitcast %sub3A_47 : vector<16xi32> to vector<16xf32>
      %mul3A_49 = arith.constant 5.000000e-01 : f32
      %mul3A_50 = vector.broadcast %mul3A_49 : f32 to vector<16xf32>
      %mul3A_51 = arith.mulf %mul3A_50, %add3A_42 : vector<16xf32>
      %mul3A_52 = arith.mulf %mul3A_51, %bitcast3A_48 : vector<16xf32>
      %mul3A_53 = arith.mulf %mul3A_52, %bitcast3A_48 : vector<16xf32>
      %sub3A_54 = arith.constant 1.500000e+00 : f32
      %sub3A_55 = vector.broadcast %sub3A_54 : f32 to vector<16xf32>
      %sub3A_56 = arith.subf %sub3A_55, %mul3A_53 : vector<16xf32>
      %mul3A_57 = arith.mulf %bitcast3A_48, %sub3A_56 : vector<16xf32>
      %mul3A_58 = arith.constant 5.000000e-01 : f32
      %mul3A_59 = vector.broadcast %mul3A_58 : f32 to vector<16xf32>
      %mul3A_60 = arith.mulf %mul3A_59, %add3A_42 : vector<16xf32>
      %mul3A_61 = arith.mulf %mul3A_60, %mul3A_57 : vector<16xf32>
      %mul3A_62 = arith.mulf %mul3A_61, %mul3A_57 : vector<16xf32>
      %sub3A_63 = arith.constant 1.500000e+00 : f32
      %sub3A_64 = vector.broadcast %sub3A_63 : f32 to vector<16xf32>
      %sub3A_65 = arith.subf %sub3A_64, %mul3A_62 : vector<16xf32>
      %mul3A_66 = arith.mulf %mul3A_57, %sub3A_65 : vector<16xf32>
      %mul3A_67 = arith.constant 5.000000e-01 : f32
      %mul3A_68 = vector.broadcast %mul3A_67 : f32 to vector<16xf32>
      %mul3A_69 = arith.mulf %mul3A_68, %add3A_42 : vector<16xf32>
      %mul3A_70 = arith.mulf %mul3A_69, %mul3A_66 : vector<16xf32>
      %mul3A_71 = arith.mulf %mul3A_70, %mul3A_66 : vector<16xf32>
      %sub3A_72 = arith.constant 1.500000e+00 : f32
      %sub3A_73 = vector.broadcast %sub3A_72 : f32 to vector<16xf32>
      %sub3A_74 = arith.subf %sub3A_73, %mul3A_71 : vector<16xf32>
      %mul3A_75 = arith.mulf %mul3A_66, %sub3A_74 : vector<16xf32>
      %gather3A_76 = tpu.vector_load_idx %arg13[%shift_right_logical3A_37, %and3A_39] : memref<640x8xf32, #tpu.memory_space<vmem>>[vector<16xi32>, vector<16xi32>], vector<16xf32>,
      %mul3A_77 = arith.mulf %gather3A_76, %mul3A_75 : vector<16xf32>
      tpu.vector_store_idx %arg13[%shift_right_logical3A_37, %and3A_39], %mul3A_77 : memref<640x8xf32, #tpu.memory_space<vmem>>[vector<16xi32>, vector<16xi32>], vector<16xf32>,
      %div3A = arith.constant 0.899999976 : f32
      %div3A_78 = vector.broadcast %div3A : f32 to vector<16xf32>
      %div3A_79 = arith.divf %div3A_78, %add3A_42 : vector<16xf32>
      tpu.vector_store_idx %arg14[%shift_right_logical3A_37, %and3A_39], %div3A_79 : memref<640x8xf32, #tpu.memory_space<vmem>>[vector<16xi32>, vector<16xi32>], vector<16xf32>,
      %mul3A_80 = arith.constant 1.000000e-01 : f32
      %mul3A_81 = vector.broadcast %mul3A_80 : f32 to vector<16xf32>
      %mul3A_82 = arith.mulf %mul3A_81, %mul3A_77 : vector<16xf32>
      tpu.vector_store_idx %arg15[%shift_right_logical3A_37, %and3A_39], %mul3A_82 : memref<640x8xf32, #tpu.memory_space<vmem>>[vector<16xi32>, vector<16xi32>], vector<16xf32>,
      %mul3A_83 = arith.mulf %add3A_42, %mul3A_75 : vector<16xf32>
      tpu.vector_store_idx %arg17[%shift_right_logical3A_37, %and3A_39], %mul3A_83 : memref<640x8xf32, #tpu.memory_space<vmem>>[vector<16xi32>, vector<16xi32>], vector<16xf32>,
      %scan3A_84 = arith.constant 0 : i32
      scf.yield %scan3A_84 : i32
    }
    %scan3A_14 = arith.constant 320 : i32
    "tpu.region"() ({
      %run_scoped3A = tpu.sem_alloc : memref<!tpu.dma_semaphore, #tpu.memory_space<semaphore_mem>>
      %dma_start3A = arith.constant 0 : i32
      %dma_start3A_31 = tpu.memref_slice %arg21[%mul3A_0, %dma_start3A] : memref<10240x8xf32, #tpu.memory_space<vmem_shared>> -> memref<640x8xf32, #tpu.memory_space<vmem_shared>>
      %dma_start3A_32 = arith.constant 0 : i32
      %dma_start3A_33 = tpu.memref_slice %arg21[%mul3A_0, %dma_start3A_32] : memref<10240x8xf32, #tpu.memory_space<vmem_shared>> -> memref<640x8xf32, #tpu.memory_space<vmem_shared>>
      tpu.enqueue_dma source(%arg13 : memref<640x8xf32, #tpu.memory_space<vmem>>) target(%dma_start3A_33 : memref<640x8xf32, #tpu.memory_space<vmem_shared>>) target_semaphore(%run_scoped3A : memref<!tpu.dma_semaphore, #tpu.memory_space<semaphore_mem>>)
      %dma_wait3A = arith.constant 0 : i32
      %dma_wait3A_34 = tpu.memref_slice %arg21[%mul3A_0, %dma_wait3A] : memref<10240x8xf32, #tpu.memory_space<vmem_shared>> -> memref<640x8xf32, #tpu.memory_space<vmem_shared>>
      %dma_wait3A_35 = arith.constant 0 : i32
      %dma_wait3A_36 = tpu.memref_slice %arg21[%mul3A_0, %dma_wait3A_35] : memref<10240x8xf32, #tpu.memory_space<vmem_shared>> -> memref<640x8xf32, #tpu.memory_space<vmem_shared>>
      tpu.wait_dma2 semaphore(%run_scoped3A : memref<!tpu.dma_semaphore, #tpu.memory_space<semaphore_mem>>) src(%arg13 : memref<640x8xf32, #tpu.memory_space<vmem>>) dst(%dma_wait3A_36 : memref<640x8xf32, #tpu.memory_space<vmem_shared>>)
      tpu.yield
    }) : () -> ()
    %barrier3A_15 = arith.constant 0 : index
    tpu.barrier barrier_id(%barrier3A_15)
    %scan3A_16 = arith.constant 0 : i32
    %scan3A_17 = arith.constant 0 : i32
    %scan3A_18 = arith.constant 10 : i32
    %scan3A_19 = arith.addi %scan3A_17, %scan3A_18 : i32
    %scan3A_20 = arith.constant 1 : i32
    %scan3A_21 = scf.for %scan3A_31 = %scan3A_17 to %scan3A_19 step %scan3A_20 iter_args(%scan3A_32 = %scan3A_16) -> (i32)  : i32 {
      %dma_start3A = arith.constant 0 : i32
      %dma_start3A_33 = arith.constant 0 : i32
      %dma_start3A_34 = arith.constant 0 : i32
      %dma_start3A_35 = arith.constant 0 : i32
      %dma_start3A_36 = arith.constant 0 : i32
      %dma_start3A_37 = tpu.memref_slice %arg11[%dma_start3A_33, %dma_start3A_35, %dma_start3A_36] : memref<10x128x8xf32, #tpu.memory_space<vmem>> -> memref<1x128x8xf32, #tpu.memory_space<vmem>>
      %dma_start3A_38 = tpu.memref_squeeze %dma_start3A_37 : memref<1x128x8xf32, #tpu.memory_space<vmem>> -> memref<128x8xf32, #tpu.memory_space<vmem>>
      %dma_start3A_39 = arith.constant 0 : i32
      %dma_start3A_40 = tpu.memref_slice %arg9[%dma_start3A, %dma_start3A_39] : memref<160x128xi32, #tpu.memory_space<vmem>> -> memref<1x128xi32, #tpu.memory_space<vmem>>
      %dma_start3A_41 = tpu.memref_squeeze %dma_start3A_40 : memref<1x128xi32, #tpu.memory_space<vmem>> -> memref<128xi32, #tpu.memory_space<vmem>>
      %dma_start3A_42 = arith.constant 0 : i32
      %dma_start3A_43 = arith.constant 0 : i32
      %dma_start3A_44 = tpu.memref_slice %arg21[%dma_start3A_42, %dma_start3A_43] : memref<10240x8xf32, #tpu.memory_space<vmem_shared>> -> memref<10240x8xf32, #tpu.memory_space<vmem_shared>>
      %dma_start3A_45 = tpu.memref_slice %arg22[%dma_start3A_34] : memref<10x!tpu.dma_semaphore, #tpu.memory_space<semaphore_mem>> -> memref<1x!tpu.dma_semaphore, #tpu.memory_space<semaphore_mem>>
      %dma_start3A_46 = tpu.memref_squeeze %dma_start3A_45 : memref<1x!tpu.dma_semaphore, #tpu.memory_space<semaphore_mem>> -> memref<!tpu.dma_semaphore, #tpu.memory_space<semaphore_mem>>
      tpu.enqueue_indirect_dma source(%dma_start3A_44 : memref<10240x8xf32, #tpu.memory_space<vmem_shared>>) target(%dma_start3A_38 : memref<128x8xf32, #tpu.memory_space<vmem>>) offsets(%dma_start3A_41 : memref<128xi32, #tpu.memory_space<vmem>>) semaphore(%dma_start3A_46 : memref<!tpu.dma_semaphore, #tpu.memory_space<semaphore_mem>>)
      %dma_start3A_47 = arith.constant 1 : i32
      %dma_start3A_48 = arith.constant 1 : i32
      %dma_start3A_49 = arith.constant 1 : i32
      %dma_start3A_50 = arith.constant 0 : i32
      %dma_start3A_51 = arith.constant 0 : i32
      %dma_start3A_52 = tpu.memref_slice %arg11[%dma_start3A_48, %dma_start3A_50, %dma_start3A_51] : memref<10x128x8xf32, #tpu.memory_space<vmem>> -> memref<1x128x8xf32, #tpu.memory_space<vmem>>
      %dma_start3A_53 = tpu.memref_squeeze %dma_start3A_52 : memref<1x128x8xf32, #tpu.memory_space<vmem>> -> memref<128x8xf32, #tpu.memory_space<vmem>>
      %dma_start3A_54 = arith.constant 0 : i32
      %dma_start3A_55 = tpu.memref_slice %arg9[%dma_start3A_47, %dma_start3A_54] : memref<160x128xi32, #tpu.memory_space<vmem>> -> memref<1x128xi32, #tpu.memory_space<vmem>>
      %dma_start3A_56 = tpu.memref_squeeze %dma_start3A_55 : memref<1x128xi32, #tpu.memory_space<vmem>> -> memref<128xi32, #tpu.memory_space<vmem>>
      %dma_start3A_57 = arith.constant 0 : i32
      %dma_start3A_58 = arith.constant 0 : i32
      %dma_start3A_59 = tpu.memref_slice %arg21[%dma_start3A_57, %dma_start3A_58] : memref<10240x8xf32, #tpu.memory_space<vmem_shared>> -> memref<10240x8xf32, #tpu.memory_space<vmem_shared>>
      %dma_start3A_60 = tpu.memref_slice %arg22[%dma_start3A_49] : memref<10x!tpu.dma_semaphore, #tpu.memory_space<semaphore_mem>> -> memref<1x!tpu.dma_semaphore, #tpu.memory_space<semaphore_mem>>
      %dma_start3A_61 = tpu.memref_squeeze %dma_start3A_60 : memref<1x!tpu.dma_semaphore, #tpu.memory_space<semaphore_mem>> -> memref<!tpu.dma_semaphore, #tpu.memory_space<semaphore_mem>>
      tpu.enqueue_indirect_dma source(%dma_start3A_59 : memref<10240x8xf32, #tpu.memory_space<vmem_shared>>) target(%dma_start3A_53 : memref<128x8xf32, #tpu.memory_space<vmem>>) offsets(%dma_start3A_56 : memref<128xi32, #tpu.memory_space<vmem>>) semaphore(%dma_start3A_61 : memref<!tpu.dma_semaphore, #tpu.memory_space<semaphore_mem>>)
      %dma_start3A_62 = arith.constant 2 : i32
      %dma_start3A_63 = arith.constant 2 : i32
      %dma_start3A_64 = arith.constant 2 : i32
      %dma_start3A_65 = arith.constant 0 : i32
      %dma_start3A_66 = arith.constant 0 : i32
      %dma_start3A_67 = tpu.memref_slice %arg11[%dma_start3A_63, %dma_start3A_65, %dma_start3A_66] : memref<10x128x8xf32, #tpu.memory_space<vmem>> -> memref<1x128x8xf32, #tpu.memory_space<vmem>>
      %dma_start3A_68 = tpu.memref_squeeze %dma_start3A_67 : memref<1x128x8xf32, #tpu.memory_space<vmem>> -> memref<128x8xf32, #tpu.memory_space<vmem>>
      %dma_start3A_69 = arith.constant 0 : i32
      %dma_start3A_70 = tpu.memref_slice %arg9[%dma_start3A_62, %dma_start3A_69] : memref<160x128xi32, #tpu.memory_space<vmem>> -> memref<1x128xi32, #tpu.memory_space<vmem>>
      %dma_start3A_71 = tpu.memref_squeeze %dma_start3A_70 : memref<1x128xi32, #tpu.memory_space<vmem>> -> memref<128xi32, #tpu.memory_space<vmem>>
      %dma_start3A_72 = arith.constant 0 : i32
      %dma_start3A_73 = arith.constant 0 : i32
      %dma_start3A_74 = tpu.memref_slice %arg21[%dma_start3A_72, %dma_start3A_73] : memref<10240x8xf32, #tpu.memory_space<vmem_shared>> -> memref<10240x8xf32, #tpu.memory_space<vmem_shared>>
      %dma_start3A_75 = tpu.memref_slice %arg22[%dma_start3A_64] : memref<10x!tpu.dma_semaphore, #tpu.memory_space<semaphore_mem>> -> memref<1x!tpu.dma_semaphore, #tpu.memory_space<semaphore_mem>>
      %dma_start3A_76 = tpu.memref_squeeze %dma_start3A_75 : memref<1x!tpu.dma_semaphore, #tpu.memory_space<semaphore_mem>> -> memref<!tpu.dma_semaphore, #tpu.memory_space<semaphore_mem>>
      tpu.enqueue_indirect_dma source(%dma_start3A_74 : memref<10240x8xf32, #tpu.memory_space<vmem_shared>>) target(%dma_start3A_68 : memref<128x8xf32, #tpu.memory_space<vmem>>) offsets(%dma_start3A_71 : memref<128xi32, #tpu.memory_space<vmem>>) semaphore(%dma_start3A_76 : memref<!tpu.dma_semaphore, #tpu.memory_space<semaphore_mem>>)
      %dma_start3A_77 = arith.constant 3 : i32
      %dma_start3A_78 = arith.constant 3 : i32
      %dma_start3A_79 = arith.constant 3 : i32
      %dma_start3A_80 = arith.constant 0 : i32
      %dma_start3A_81 = arith.constant 0 : i32
      %dma_start3A_82 = tpu.memref_slice %arg11[%dma_start3A_78, %dma_start3A_80, %dma_start3A_81] : memref<10x128x8xf32, #tpu.memory_space<vmem>> -> memref<1x128x8xf32, #tpu.memory_space<vmem>>
      %dma_start3A_83 = tpu.memref_squeeze %dma_start3A_82 : memref<1x128x8xf32, #tpu.memory_space<vmem>> -> memref<128x8xf32, #tpu.memory_space<vmem>>
      %dma_start3A_84 = arith.constant 0 : i32
      %dma_start3A_85 = tpu.memref_slice %arg9[%dma_start3A_77, %dma_start3A_84] : memref<160x128xi32, #tpu.memory_space<vmem>> -> memref<1x128xi32, #tpu.memory_space<vmem>>
      %dma_start3A_86 = tpu.memref_squeeze %dma_start3A_85 : memref<1x128xi32, #tpu.memory_space<vmem>> -> memref<128xi32, #tpu.memory_space<vmem>>
      %dma_start3A_87 = arith.constant 0 : i32
      %dma_start3A_88 = arith.constant 0 : i32
      %dma_start3A_89 = tpu.memref_slice %arg21[%dma_start3A_87, %dma_start3A_88] : memref<10240x8xf32, #tpu.memory_space<vmem_shared>> -> memref<10240x8xf32, #tpu.memory_space<vmem_shared>>
      %dma_start3A_90 = tpu.memref_slice %arg22[%dma_start3A_79] : memref<10x!tpu.dma_semaphore, #tpu.memory_space<semaphore_mem>> -> memref<1x!tpu.dma_semaphore, #tpu.memory_space<semaphore_mem>>
      %dma_start3A_91 = tpu.memref_squeeze %dma_start3A_90 : memref<1x!tpu.dma_semaphore, #tpu.memory_space<semaphore_mem>> -> memref<!tpu.dma_semaphore, #tpu.memory_space<semaphore_mem>>
      tpu.enqueue_indirect_dma source(%dma_start3A_89 : memref<10240x8xf32, #tpu.memory_space<vmem_shared>>) target(%dma_start3A_83 : memref<128x8xf32, #tpu.memory_space<vmem>>) offsets(%dma_start3A_86 : memref<128xi32, #tpu.memory_space<vmem>>) semaphore(%dma_start3A_91 : memref<!tpu.dma_semaphore, #tpu.memory_space<semaphore_mem>>)
      %dma_start3A_92 = arith.constant 4 : i32
      %dma_start3A_93 = arith.constant 4 : i32
      %dma_start3A_94 = arith.constant 4 : i32
      %dma_start3A_95 = arith.constant 0 : i32
      %dma_start3A_96 = arith.constant 0 : i32
      %dma_start3A_97 = tpu.memref_slice %arg11[%dma_start3A_93, %dma_start3A_95, %dma_start3A_96] : memref<10x128x8xf32, #tpu.memory_space<vmem>> -> memref<1x128x8xf32, #tpu.memory_space<vmem>>
      %dma_start3A_98 = tpu.memref_squeeze %dma_start3A_97 : memref<1x128x8xf32, #tpu.memory_space<vmem>> -> memref<128x8xf32, #tpu.memory_space<vmem>>
      %dma_start3A_99 = arith.constant 0 : i32
      %dma_start3A_100 = tpu.memref_slice %arg9[%dma_start3A_92, %dma_start3A_99] : memref<160x128xi32, #tpu.memory_space<vmem>> -> memref<1x128xi32, #tpu.memory_space<vmem>>
      %dma_start3A_101 = tpu.memref_squeeze %dma_start3A_100 : memref<1x128xi32, #tpu.memory_space<vmem>> -> memref<128xi32, #tpu.memory_space<vmem>>
      %dma_start3A_102 = arith.constant 0 : i32
      %dma_start3A_103 = arith.constant 0 : i32
      %dma_start3A_104 = tpu.memref_slice %arg21[%dma_start3A_102, %dma_start3A_103] : memref<10240x8xf32, #tpu.memory_space<vmem_shared>> -> memref<10240x8xf32, #tpu.memory_space<vmem_shared>>
      %dma_start3A_105 = tpu.memref_slice %arg22[%dma_start3A_94] : memref<10x!tpu.dma_semaphore, #tpu.memory_space<semaphore_mem>> -> memref<1x!tpu.dma_semaphore, #tpu.memory_space<semaphore_mem>>
      %dma_start3A_106 = tpu.memref_squeeze %dma_start3A_105 : memref<1x!tpu.dma_semaphore, #tpu.memory_space<semaphore_mem>> -> memref<!tpu.dma_semaphore, #tpu.memory_space<semaphore_mem>>
      tpu.enqueue_indirect_dma source(%dma_start3A_104 : memref<10240x8xf32, #tpu.memory_space<vmem_shared>>) target(%dma_start3A_98 : memref<128x8xf32, #tpu.memory_space<vmem>>) offsets(%dma_start3A_101 : memref<128xi32, #tpu.memory_space<vmem>>) semaphore(%dma_start3A_106 : memref<!tpu.dma_semaphore, #tpu.memory_space<semaphore_mem>>)
      %scan3A_107 = arith.constant 0 : i32
      %scan3A_108 = arith.constant 0 : i32
      %scan3A_109 = arith.constant 16 : i32
      %scan3A_110 = arith.addi %scan3A_108, %scan3A_109 : i32
      %scan3A_111 = arith.constant 1 : i32
      %scan3A_112 = scf.for %scan3A_273 = %scan3A_108 to %scan3A_110 step %scan3A_111 iter_args(%scan3A_274 = %scan3A_107) -> (i32)  : i32 {
        %mul3A_275 = arith.constant 10 : i32
        %mul3A_276 = arith.muli %scan3A_273, %mul3A_275 : i32
        %add3A = arith.constant 0 : i32
        %add3A_277 = arith.addi %mul3A_276, %add3A : i32
        %dma_wait3A_278 = arith.constant 0 : i32
        %dma_wait3A_279 = arith.constant 0 : i32
        %dma_wait3A_280 = arith.constant 0 : i32
        %dma_wait3A_281 = arith.constant 0 : i32
        %dma_wait3A_282 = tpu.memref_slice %arg11[%dma_wait3A_278, %dma_wait3A_280, %dma_wait3A_281] : memref<10x128x8xf32, #tpu.memory_space<vmem>> -> memref<1x128x8xf32, #tpu.memory_space<vmem>>
        %dma_wait3A_283 = tpu.memref_squeeze %dma_wait3A_282 : memref<1x128x8xf32, #tpu.memory_space<vmem>> -> memref<128x8xf32, #tpu.memory_space<vmem>>
        %dma_wait3A_284 = arith.constant 0 : i32
        %dma_wait3A_285 = tpu.memref_slice %arg9[%add3A_277, %dma_wait3A_284] : memref<160x128xi32, #tpu.memory_space<vmem>> -> memref<1x128xi32, #tpu.memory_space<vmem>>
        %dma_wait3A_286 = tpu.memref_squeeze %dma_wait3A_285 : memref<1x128xi32, #tpu.memory_space<vmem>> -> memref<128xi32, #tpu.memory_space<vmem>>
        %dma_wait3A_287 = arith.constant 0 : i32
        %dma_wait3A_288 = arith.constant 0 : i32
        %dma_wait3A_289 = tpu.memref_slice %arg21[%dma_wait3A_287, %dma_wait3A_288] : memref<10240x8xf32, #tpu.memory_space<vmem_shared>> -> memref<10240x8xf32, #tpu.memory_space<vmem_shared>>
        %dma_wait3A_290 = tpu.memref_slice %arg22[%dma_wait3A_279] : memref<10x!tpu.dma_semaphore, #tpu.memory_space<semaphore_mem>> -> memref<1x!tpu.dma_semaphore, #tpu.memory_space<semaphore_mem>>
        %dma_wait3A_291 = tpu.memref_squeeze %dma_wait3A_290 : memref<1x!tpu.dma_semaphore, #tpu.memory_space<semaphore_mem>> -> memref<!tpu.dma_semaphore, #tpu.memory_space<semaphore_mem>>
        tpu.wait_indirect_dma semaphore(%dma_wait3A_291 : memref<!tpu.dma_semaphore, #tpu.memory_space<semaphore_mem>>) src(%dma_wait3A_289 : memref<10240x8xf32, #tpu.memory_space<vmem_shared>>) dst(%dma_wait3A_283 : memref<128x8xf32, #tpu.memory_space<vmem>>)
        %dma_start3A_292 = arith.constant 0 : i32
        %dma_start3A_293 = arith.constant 0 : i32
        %dma_start3A_294 = arith.constant 0 : i32
        %dma_start3A_295 = arith.constant 0 : i32
        %dma_start3A_296 = tpu.memref_slice %arg11[%dma_start3A_292, %dma_start3A_294, %dma_start3A_295] : memref<10x128x8xf32, #tpu.memory_space<vmem>> -> memref<1x128x8xf32, #tpu.memory_space<vmem>>
        %dma_start3A_297 = tpu.memref_squeeze %dma_start3A_296 : memref<1x128x8xf32, #tpu.memory_space<vmem>> -> memref<128x8xf32, #tpu.memory_space<vmem>>
        %dma_start3A_298 = arith.constant 0 : i32
        %dma_start3A_299 = tpu.memref_slice %arg10[%add3A_277, %dma_start3A_298] : memref<160x128xi32, #tpu.memory_space<vmem>> -> memref<1x128xi32, #tpu.memory_space<vmem>>
        %dma_start3A_300 = tpu.memref_squeeze %dma_start3A_299 : memref<1x128xi32, #tpu.memory_space<vmem>> -> memref<128xi32, #tpu.memory_space<vmem>>
        %dma_start3A_301 = arith.constant 0 : i32
        %dma_start3A_302 = arith.constant 0 : i32
        %dma_start3A_303 = tpu.memref_slice %arg20[%dma_start3A_301, %dma_start3A_302] : memref<10240x8xf32, #tpu.memory_space<vmem_shared>> -> memref<10240x8xf32, #tpu.memory_space<vmem_shared>>
        %dma_start3A_304 = tpu.memref_slice %arg23[%dma_start3A_293] : memref<10x!tpu.dma_semaphore, #tpu.memory_space<semaphore_mem>> -> memref<1x!tpu.dma_semaphore, #tpu.memory_space<semaphore_mem>>
        %dma_start3A_305 = tpu.memref_squeeze %dma_start3A_304 : memref<1x!tpu.dma_semaphore, #tpu.memory_space<semaphore_mem>> -> memref<!tpu.dma_semaphore, #tpu.memory_space<semaphore_mem>>
        tpu.enqueue_indirect_dma source(%dma_start3A_297 : memref<128x8xf32, #tpu.memory_space<vmem>>) target(%dma_start3A_303 : memref<10240x8xf32, #tpu.memory_space<vmem_shared>>) offsets(%dma_start3A_300 : memref<128xi32, #tpu.memory_space<vmem>>) semaphore(%dma_start3A_305 : memref<!tpu.dma_semaphore, #tpu.memory_space<semaphore_mem>>) {add = true}
        %ge3A = arith.constant 5 : i32
        %ge3A_306 = arith.cmpi sge, %add3A_277, %ge3A : i32
        %add3A_307 = arith.constant 5 : i32
        %add3A_308 = arith.addi %add3A_277, %add3A_307 : i32
        %lt3A = arith.constant 160 : i32
        %lt3A_309 = arith.cmpi slt, %add3A_308, %lt3A : i32
        %and3A = arith.andi %ge3A_306, %lt3A_309 : i1
        %convert_element_type3A = arith.extui %and3A : i1 to i32
        %cond3A = arith.constant 0 : i32
        %cond3A_310 = arith.cmpi ne, %convert_element_type3A, %cond3A : i32
        scf.if %cond3A_310 {
          %dma_wait3A_760 = arith.constant 5 : i32
          %dma_wait3A_761 = arith.constant 0 : i32
          %dma_wait3A_762 = arith.constant 5 : i32
          %dma_wait3A_763 = arith.constant 0 : i32
          %dma_wait3A_764 = arith.constant 0 : i32
          %dma_wait3A_765 = tpu.memref_slice %arg11[%dma_wait3A_760, %dma_wait3A_763, %dma_wait3A_764] : memref<10x128x8xf32, #tpu.memory_space<vmem>> -> memref<1x128x8xf32, #tpu.memory_space<vmem>>
          %dma_wait3A_766 = tpu.memref_squeeze %dma_wait3A_765 : memref<1x128x8xf32, #tpu.memory_space<vmem>> -> memref<128x8xf32, #tpu.memory_space<vmem>>
          %dma_wait3A_767 = arith.constant 0 : i32
          %dma_wait3A_768 = tpu.memref_slice %arg10[%dma_wait3A_761, %dma_wait3A_767] : memref<160x128xi32, #tpu.memory_space<vmem>> -> memref<1x128xi32, #tpu.memory_space<vmem>>
          %dma_wait3A_769 = tpu.memref_squeeze %dma_wait3A_768 : memref<1x128xi32, #tpu.memory_space<vmem>> -> memref<128xi32, #tpu.memory_space<vmem>>
          %dma_wait3A_770 = arith.constant 0 : i32
          %dma_wait3A_771 = arith.constant 0 : i32
          %dma_wait3A_772 = tpu.memref_slice %arg20[%dma_wait3A_770, %dma_wait3A_771] : memref<10240x8xf32, #tpu.memory_space<vmem_shared>> -> memref<10240x8xf32, #tpu.memory_space<vmem_shared>>
          %dma_wait3A_773 = tpu.memref_slice %arg23[%dma_wait3A_762] : memref<10x!tpu.dma_semaphore, #tpu.memory_space<semaphore_mem>> -> memref<1x!tpu.dma_semaphore, #tpu.memory_space<semaphore_mem>>
          %dma_wait3A_774 = tpu.memref_squeeze %dma_wait3A_773 : memref<1x!tpu.dma_semaphore, #tpu.memory_space<semaphore_mem>> -> memref<!tpu.dma_semaphore, #tpu.memory_space<semaphore_mem>>
          tpu.wait_indirect_dma semaphore(%dma_wait3A_774 : memref<!tpu.dma_semaphore, #tpu.memory_space<semaphore_mem>>) src(%dma_wait3A_766 : memref<128x8xf32, #tpu.memory_space<vmem>>) dst(%dma_wait3A_772 : memref<10240x8xf32, #tpu.memory_space<vmem_shared>>)
        } else {
        }
        %add3A_311 = arith.constant 5 : i32
        %add3A_312 = arith.addi %add3A_277, %add3A_311 : i32
        %lt3A_313 = arith.constant 160 : i32
        %lt3A_314 = arith.cmpi slt, %add3A_312, %lt3A_313 : i32
        %convert_element_type3A_315 = arith.extui %lt3A_314 : i1 to i32
        %cond3A_316 = arith.constant 0 : i32
        %cond3A_317 = arith.cmpi ne, %convert_element_type3A_315, %cond3A_316 : i32
        scf.if %cond3A_317 {
          %add3A_760 = arith.constant 5 : i32
          %add3A_761 = arith.addi %add3A_277, %add3A_760 : i32
          %dma_start3A_762 = arith.constant 5 : i32
          %dma_start3A_763 = arith.constant 5 : i32
          %dma_start3A_764 = arith.constant 0 : i32
          %dma_start3A_765 = arith.constant 0 : i32
          %dma_start3A_766 = tpu.memref_slice %arg11[%dma_start3A_762, %dma_start3A_764, %dma_start3A_765] : memref<10x128x8xf32, #tpu.memory_space<vmem>> -> memref<1x128x8xf32, #tpu.memory_space<vmem>>
          %dma_start3A_767 = tpu.memref_squeeze %dma_start3A_766 : memref<1x128x8xf32, #tpu.memory_space<vmem>> -> memref<128x8xf32, #tpu.memory_space<vmem>>
          %dma_start3A_768 = arith.constant 0 : i32
          %dma_start3A_769 = tpu.memref_slice %arg9[%add3A_761, %dma_start3A_768] : memref<160x128xi32, #tpu.memory_space<vmem>> -> memref<1x128xi32, #tpu.memory_space<vmem>>
          %dma_start3A_770 = tpu.memref_squeeze %dma_start3A_769 : memref<1x128xi32, #tpu.memory_space<vmem>> -> memref<128xi32, #tpu.memory_space<vmem>>
          %dma_start3A_771 = arith.constant 0 : i32
          %dma_start3A_772 = arith.constant 0 : i32
          %dma_start3A_773 = tpu.memref_slice %arg21[%dma_start3A_771, %dma_start3A_772] : memref<10240x8xf32, #tpu.memory_space<vmem_shared>> -> memref<10240x8xf32, #tpu.memory_space<vmem_shared>>
          %dma_start3A_774 = tpu.memref_slice %arg22[%dma_start3A_763] : memref<10x!tpu.dma_semaphore, #tpu.memory_space<semaphore_mem>> -> memref<1x!tpu.dma_semaphore, #tpu.memory_space<semaphore_mem>>
          %dma_start3A_775 = tpu.memref_squeeze %dma_start3A_774 : memref<1x!tpu.dma_semaphore, #tpu.memory_space<semaphore_mem>> -> memref<!tpu.dma_semaphore, #tpu.memory_space<semaphore_mem>>
          tpu.enqueue_indirect_dma source(%dma_start3A_773 : memref<10240x8xf32, #tpu.memory_space<vmem_shared>>) target(%dma_start3A_767 : memref<128x8xf32, #tpu.memory_space<vmem>>) offsets(%dma_start3A_770 : memref<128xi32, #tpu.memory_space<vmem>>) semaphore(%dma_start3A_775 : memref<!tpu.dma_semaphore, #tpu.memory_space<semaphore_mem>>)
        } else {
        }
        %mul3A_318 = arith.constant 10 : i32
        %mul3A_319 = arith.muli %scan3A_273, %mul3A_318 : i32
        %add3A_320 = arith.constant 1 : i32
        %add3A_321 = arith.addi %mul3A_319, %add3A_320 : i32
        %dma_wait3A_322 = arith.constant 1 : i32
        %dma_wait3A_323 = arith.constant 1 : i32
        %dma_wait3A_324 = arith.constant 0 : i32
        %dma_wait3A_325 = arith.constant 0 : i32
        %dma_wait3A_326 = tpu.memref_slice %arg11[%dma_wait3A_322, %dma_wait3A_324, %dma_wait3A_325] : memref<10x128x8xf32, #tpu.memory_space<vmem>> -> memref<1x128x8xf32, #tpu.memory_space<vmem>>
        %dma_wait3A_327 = tpu.memref_squeeze %dma_wait3A_326 : memref<1x128x8xf32, #tpu.memory_space<vmem>> -> memref<128x8xf32, #tpu.memory_space<vmem>>
        %dma_wait3A_328 = arith.constant 0 : i32
        %dma_wait3A_329 = tpu.memref_slice %arg9[%add3A_321, %dma_wait3A_328] : memref<160x128xi32, #tpu.memory_space<vmem>> -> memref<1x128xi32, #tpu.memory_space<vmem>>
        %dma_wait3A_330 = tpu.memref_squeeze %dma_wait3A_329 : memref<1x128xi32, #tpu.memory_space<vmem>> -> memref<128xi32, #tpu.memory_space<vmem>>
        %dma_wait3A_331 = arith.constant 0 : i32
        %dma_wait3A_332 = arith.constant 0 : i32
        %dma_wait3A_333 = tpu.memref_slice %arg21[%dma_wait3A_331, %dma_wait3A_332] : memref<10240x8xf32, #tpu.memory_space<vmem_shared>> -> memref<10240x8xf32, #tpu.memory_space<vmem_shared>>
        %dma_wait3A_334 = tpu.memref_slice %arg22[%dma_wait3A_323] : memref<10x!tpu.dma_semaphore, #tpu.memory_space<semaphore_mem>> -> memref<1x!tpu.dma_semaphore, #tpu.memory_space<semaphore_mem>>
        %dma_wait3A_335 = tpu.memref_squeeze %dma_wait3A_334 : memref<1x!tpu.dma_semaphore, #tpu.memory_space<semaphore_mem>> -> memref<!tpu.dma_semaphore, #tpu.memory_space<semaphore_mem>>
        tpu.wait_indirect_dma semaphore(%dma_wait3A_335 : memref<!tpu.dma_semaphore, #tpu.memory_space<semaphore_mem>>) src(%dma_wait3A_333 : memref<10240x8xf32, #tpu.memory_space<vmem_shared>>) dst(%dma_wait3A_327 : memref<128x8xf32, #tpu.memory_space<vmem>>)
        %dma_start3A_336 = arith.constant 1 : i32
        %dma_start3A_337 = arith.constant 1 : i32
        %dma_start3A_338 = arith.constant 0 : i32
        %dma_start3A_339 = arith.constant 0 : i32
        %dma_start3A_340 = tpu.memref_slice %arg11[%dma_start3A_336, %dma_start3A_338, %dma_start3A_339] : memref<10x128x8xf32, #tpu.memory_space<vmem>> -> memref<1x128x8xf32, #tpu.memory_space<vmem>>
        %dma_start3A_341 = tpu.memref_squeeze %dma_start3A_340 : memref<1x128x8xf32, #tpu.memory_space<vmem>> -> memref<128x8xf32, #tpu.memory_space<vmem>>
        %dma_start3A_342 = arith.constant 0 : i32
        %dma_start3A_343 = tpu.memref_slice %arg10[%add3A_321, %dma_start3A_342] : memref<160x128xi32, #tpu.memory_space<vmem>> -> memref<1x128xi32, #tpu.memory_space<vmem>>
        %dma_start3A_344 = tpu.memref_squeeze %dma_start3A_343 : memref<1x128xi32, #tpu.memory_space<vmem>> -> memref<128xi32, #tpu.memory_space<vmem>>
        %dma_start3A_345 = arith.constant 0 : i32
        %dma_start3A_346 = arith.constant 0 : i32
        %dma_start3A_347 = tpu.memref_slice %arg20[%dma_start3A_345, %dma_start3A_346] : memref<10240x8xf32, #tpu.memory_space<vmem_shared>> -> memref<10240x8xf32, #tpu.memory_space<vmem_shared>>
        %dma_start3A_348 = tpu.memref_slice %arg23[%dma_start3A_337] : memref<10x!tpu.dma_semaphore, #tpu.memory_space<semaphore_mem>> -> memref<1x!tpu.dma_semaphore, #tpu.memory_space<semaphore_mem>>
        %dma_start3A_349 = tpu.memref_squeeze %dma_start3A_348 : memref<1x!tpu.dma_semaphore, #tpu.memory_space<semaphore_mem>> -> memref<!tpu.dma_semaphore, #tpu.memory_space<semaphore_mem>>
        tpu.enqueue_indirect_dma source(%dma_start3A_341 : memref<128x8xf32, #tpu.memory_space<vmem>>) target(%dma_start3A_347 : memref<10240x8xf32, #tpu.memory_space<vmem_shared>>) offsets(%dma_start3A_344 : memref<128xi32, #tpu.memory_space<vmem>>) semaphore(%dma_start3A_349 : memref<!tpu.dma_semaphore, #tpu.memory_space<semaphore_mem>>) {add = true}
        %ge3A_350 = arith.constant 5 : i32
        %ge3A_351 = arith.cmpi sge, %add3A_321, %ge3A_350 : i32
        %add3A_352 = arith.constant 5 : i32
        %add3A_353 = arith.addi %add3A_321, %add3A_352 : i32
        %lt3A_354 = arith.constant 160 : i32
        %lt3A_355 = arith.cmpi slt, %add3A_353, %lt3A_354 : i32
        %and3A_356 = arith.andi %ge3A_351, %lt3A_355 : i1
        %convert_element_type3A_357 = arith.extui %and3A_356 : i1 to i32
        %cond3A_358 = arith.constant 0 : i32
        %cond3A_359 = arith.cmpi ne, %convert_element_type3A_357, %cond3A_358 : i32
        scf.if %cond3A_359 {
          %dma_wait3A_760 = arith.constant 6 : i32
          %dma_wait3A_761 = arith.constant 0 : i32
          %dma_wait3A_762 = arith.constant 6 : i32
          %dma_wait3A_763 = arith.constant 0 : i32
          %dma_wait3A_764 = arith.constant 0 : i32
          %dma_wait3A_765 = tpu.memref_slice %arg11[%dma_wait3A_760, %dma_wait3A_763, %dma_wait3A_764] : memref<10x128x8xf32, #tpu.memory_space<vmem>> -> memref<1x128x8xf32, #tpu.memory_space<vmem>>
          %dma_wait3A_766 = tpu.memref_squeeze %dma_wait3A_765 : memref<1x128x8xf32, #tpu.memory_space<vmem>> -> memref<128x8xf32, #tpu.memory_space<vmem>>
          %dma_wait3A_767 = arith.constant 0 : i32
          %dma_wait3A_768 = tpu.memref_slice %arg10[%dma_wait3A_761, %dma_wait3A_767] : memref<160x128xi32, #tpu.memory_space<vmem>> -> memref<1x128xi32, #tpu.memory_space<vmem>>
          %dma_wait3A_769 = tpu.memref_squeeze %dma_wait3A_768 : memref<1x128xi32, #tpu.memory_space<vmem>> -> memref<128xi32, #tpu.memory_space<vmem>>
          %dma_wait3A_770 = arith.constant 0 : i32
          %dma_wait3A_771 = arith.constant 0 : i32
          %dma_wait3A_772 = tpu.memref_slice %arg20[%dma_wait3A_770, %dma_wait3A_771] : memref<10240x8xf32, #tpu.memory_space<vmem_shared>> -> memref<10240x8xf32, #tpu.memory_space<vmem_shared>>
          %dma_wait3A_773 = tpu.memref_slice %arg23[%dma_wait3A_762] : memref<10x!tpu.dma_semaphore, #tpu.memory_space<semaphore_mem>> -> memref<1x!tpu.dma_semaphore, #tpu.memory_space<semaphore_mem>>
          %dma_wait3A_774 = tpu.memref_squeeze %dma_wait3A_773 : memref<1x!tpu.dma_semaphore, #tpu.memory_space<semaphore_mem>> -> memref<!tpu.dma_semaphore, #tpu.memory_space<semaphore_mem>>
          tpu.wait_indirect_dma semaphore(%dma_wait3A_774 : memref<!tpu.dma_semaphore, #tpu.memory_space<semaphore_mem>>) src(%dma_wait3A_766 : memref<128x8xf32, #tpu.memory_space<vmem>>) dst(%dma_wait3A_772 : memref<10240x8xf32, #tpu.memory_space<vmem_shared>>)
        } else {
        }
        %add3A_360 = arith.constant 5 : i32
        %add3A_361 = arith.addi %add3A_321, %add3A_360 : i32
        %lt3A_362 = arith.constant 160 : i32
        %lt3A_363 = arith.cmpi slt, %add3A_361, %lt3A_362 : i32
        %convert_element_type3A_364 = arith.extui %lt3A_363 : i1 to i32
        %cond3A_365 = arith.constant 0 : i32
        %cond3A_366 = arith.cmpi ne, %convert_element_type3A_364, %cond3A_365 : i32
        scf.if %cond3A_366 {
          %add3A_760 = arith.constant 5 : i32
          %add3A_761 = arith.addi %add3A_321, %add3A_760 : i32
          %dma_start3A_762 = arith.constant 6 : i32
          %dma_start3A_763 = arith.constant 6 : i32
          %dma_start3A_764 = arith.constant 0 : i32
          %dma_start3A_765 = arith.constant 0 : i32
          %dma_start3A_766 = tpu.memref_slice %arg11[%dma_start3A_762, %dma_start3A_764, %dma_start3A_765] : memref<10x128x8xf32, #tpu.memory_space<vmem>> -> memref<1x128x8xf32, #tpu.memory_space<vmem>>
          %dma_start3A_767 = tpu.memref_squeeze %dma_start3A_766 : memref<1x128x8xf32, #tpu.memory_space<vmem>> -> memref<128x8xf32, #tpu.memory_space<vmem>>
          %dma_start3A_768 = arith.constant 0 : i32
          %dma_start3A_769 = tpu.memref_slice %arg9[%add3A_761, %dma_start3A_768] : memref<160x128xi32, #tpu.memory_space<vmem>> -> memref<1x128xi32, #tpu.memory_space<vmem>>
          %dma_start3A_770 = tpu.memref_squeeze %dma_start3A_769 : memref<1x128xi32, #tpu.memory_space<vmem>> -> memref<128xi32, #tpu.memory_space<vmem>>
          %dma_start3A_771 = arith.constant 0 : i32
          %dma_start3A_772 = arith.constant 0 : i32
          %dma_start3A_773 = tpu.memref_slice %arg21[%dma_start3A_771, %dma_start3A_772] : memref<10240x8xf32, #tpu.memory_space<vmem_shared>> -> memref<10240x8xf32, #tpu.memory_space<vmem_shared>>
          %dma_start3A_774 = tpu.memref_slice %arg22[%dma_start3A_763] : memref<10x!tpu.dma_semaphore, #tpu.memory_space<semaphore_mem>> -> memref<1x!tpu.dma_semaphore, #tpu.memory_space<semaphore_mem>>
          %dma_start3A_775 = tpu.memref_squeeze %dma_start3A_774 : memref<1x!tpu.dma_semaphore, #tpu.memory_space<semaphore_mem>> -> memref<!tpu.dma_semaphore, #tpu.memory_space<semaphore_mem>>
          tpu.enqueue_indirect_dma source(%dma_start3A_773 : memref<10240x8xf32, #tpu.memory_space<vmem_shared>>) target(%dma_start3A_767 : memref<128x8xf32, #tpu.memory_space<vmem>>) offsets(%dma_start3A_770 : memref<128xi32, #tpu.memory_space<vmem>>) semaphore(%dma_start3A_775 : memref<!tpu.dma_semaphore, #tpu.memory_space<semaphore_mem>>)
        } else {
        }
        %mul3A_367 = arith.constant 10 : i32
        %mul3A_368 = arith.muli %scan3A_273, %mul3A_367 : i32
        %add3A_369 = arith.constant 2 : i32
        %add3A_370 = arith.addi %mul3A_368, %add3A_369 : i32
        %dma_wait3A_371 = arith.constant 2 : i32
        %dma_wait3A_372 = arith.constant 2 : i32
        %dma_wait3A_373 = arith.constant 0 : i32
        %dma_wait3A_374 = arith.constant 0 : i32
        %dma_wait3A_375 = tpu.memref_slice %arg11[%dma_wait3A_371, %dma_wait3A_373, %dma_wait3A_374] : memref<10x128x8xf32, #tpu.memory_space<vmem>> -> memref<1x128x8xf32, #tpu.memory_space<vmem>>
        %dma_wait3A_376 = tpu.memref_squeeze %dma_wait3A_375 : memref<1x128x8xf32, #tpu.memory_space<vmem>> -> memref<128x8xf32, #tpu.memory_space<vmem>>
        %dma_wait3A_377 = arith.constant 0 : i32
        %dma_wait3A_378 = tpu.memref_slice %arg9[%add3A_370, %dma_wait3A_377] : memref<160x128xi32, #tpu.memory_space<vmem>> -> memref<1x128xi32, #tpu.memory_space<vmem>>
        %dma_wait3A_379 = tpu.memref_squeeze %dma_wait3A_378 : memref<1x128xi32, #tpu.memory_space<vmem>> -> memref<128xi32, #tpu.memory_space<vmem>>
        %dma_wait3A_380 = arith.constant 0 : i32
        %dma_wait3A_381 = arith.constant 0 : i32
        %dma_wait3A_382 = tpu.memref_slice %arg21[%dma_wait3A_380, %dma_wait3A_381] : memref<10240x8xf32, #tpu.memory_space<vmem_shared>> -> memref<10240x8xf32, #tpu.memory_space<vmem_shared>>
        %dma_wait3A_383 = tpu.memref_slice %arg22[%dma_wait3A_372] : memref<10x!tpu.dma_semaphore, #tpu.memory_space<semaphore_mem>> -> memref<1x!tpu.dma_semaphore, #tpu.memory_space<semaphore_mem>>
        %dma_wait3A_384 = tpu.memref_squeeze %dma_wait3A_383 : memref<1x!tpu.dma_semaphore, #tpu.memory_space<semaphore_mem>> -> memref<!tpu.dma_semaphore, #tpu.memory_space<semaphore_mem>>
        tpu.wait_indirect_dma semaphore(%dma_wait3A_384 : memref<!tpu.dma_semaphore, #tpu.memory_space<semaphore_mem>>) src(%dma_wait3A_382 : memref<10240x8xf32, #tpu.memory_space<vmem_shared>>) dst(%dma_wait3A_376 : memref<128x8xf32, #tpu.memory_space<vmem>>)
        %dma_start3A_385 = arith.constant 2 : i32
        %dma_start3A_386 = arith.constant 2 : i32
        %dma_start3A_387 = arith.constant 0 : i32
        %dma_start3A_388 = arith.constant 0 : i32
        %dma_start3A_389 = tpu.memref_slice %arg11[%dma_start3A_385, %dma_start3A_387, %dma_start3A_388] : memref<10x128x8xf32, #tpu.memory_space<vmem>> -> memref<1x128x8xf32, #tpu.memory_space<vmem>>
        %dma_start3A_390 = tpu.memref_squeeze %dma_start3A_389 : memref<1x128x8xf32, #tpu.memory_space<vmem>> -> memref<128x8xf32, #tpu.memory_space<vmem>>
        %dma_start3A_391 = arith.constant 0 : i32
        %dma_start3A_392 = tpu.memref_slice %arg10[%add3A_370, %dma_start3A_391] : memref<160x128xi32, #tpu.memory_space<vmem>> -> memref<1x128xi32, #tpu.memory_space<vmem>>
        %dma_start3A_393 = tpu.memref_squeeze %dma_start3A_392 : memref<1x128xi32, #tpu.memory_space<vmem>> -> memref<128xi32, #tpu.memory_space<vmem>>
        %dma_start3A_394 = arith.constant 0 : i32
        %dma_start3A_395 = arith.constant 0 : i32
        %dma_start3A_396 = tpu.memref_slice %arg20[%dma_start3A_394, %dma_start3A_395] : memref<10240x8xf32, #tpu.memory_space<vmem_shared>> -> memref<10240x8xf32, #tpu.memory_space<vmem_shared>>
        %dma_start3A_397 = tpu.memref_slice %arg23[%dma_start3A_386] : memref<10x!tpu.dma_semaphore, #tpu.memory_space<semaphore_mem>> -> memref<1x!tpu.dma_semaphore, #tpu.memory_space<semaphore_mem>>
        %dma_start3A_398 = tpu.memref_squeeze %dma_start3A_397 : memref<1x!tpu.dma_semaphore, #tpu.memory_space<semaphore_mem>> -> memref<!tpu.dma_semaphore, #tpu.memory_space<semaphore_mem>>
        tpu.enqueue_indirect_dma source(%dma_start3A_390 : memref<128x8xf32, #tpu.memory_space<vmem>>) target(%dma_start3A_396 : memref<10240x8xf32, #tpu.memory_space<vmem_shared>>) offsets(%dma_start3A_393 : memref<128xi32, #tpu.memory_space<vmem>>) semaphore(%dma_start3A_398 : memref<!tpu.dma_semaphore, #tpu.memory_space<semaphore_mem>>) {add = true}
        %ge3A_399 = arith.constant 5 : i32
        %ge3A_400 = arith.cmpi sge, %add3A_370, %ge3A_399 : i32
        %add3A_401 = arith.constant 5 : i32
        %add3A_402 = arith.addi %add3A_370, %add3A_401 : i32
        %lt3A_403 = arith.constant 160 : i32
        %lt3A_404 = arith.cmpi slt, %add3A_402, %lt3A_403 : i32
        %and3A_405 = arith.andi %ge3A_400, %lt3A_404 : i1
        %convert_element_type3A_406 = arith.extui %and3A_405 : i1 to i32
        %cond3A_407 = arith.constant 0 : i32
        %cond3A_408 = arith.cmpi ne, %convert_element_type3A_406, %cond3A_407 : i32
        scf.if %cond3A_408 {
          %dma_wait3A_760 = arith.constant 7 : i32
          %dma_wait3A_761 = arith.constant 0 : i32
          %dma_wait3A_762 = arith.constant 7 : i32
          %dma_wait3A_763 = arith.constant 0 : i32
          %dma_wait3A_764 = arith.constant 0 : i32
          %dma_wait3A_765 = tpu.memref_slice %arg11[%dma_wait3A_760, %dma_wait3A_763, %dma_wait3A_764] : memref<10x128x8xf32, #tpu.memory_space<vmem>> -> memref<1x128x8xf32, #tpu.memory_space<vmem>>
          %dma_wait3A_766 = tpu.memref_squeeze %dma_wait3A_765 : memref<1x128x8xf32, #tpu.memory_space<vmem>> -> memref<128x8xf32, #tpu.memory_space<vmem>>
          %dma_wait3A_767 = arith.constant 0 : i32
          %dma_wait3A_768 = tpu.memref_slice %arg10[%dma_wait3A_761, %dma_wait3A_767] : memref<160x128xi32, #tpu.memory_space<vmem>> -> memref<1x128xi32, #tpu.memory_space<vmem>>
          %dma_wait3A_769 = tpu.memref_squeeze %dma_wait3A_768 : memref<1x128xi32, #tpu.memory_space<vmem>> -> memref<128xi32, #tpu.memory_space<vmem>>
          %dma_wait3A_770 = arith.constant 0 : i32
          %dma_wait3A_771 = arith.constant 0 : i32
          %dma_wait3A_772 = tpu.memref_slice %arg20[%dma_wait3A_770, %dma_wait3A_771] : memref<10240x8xf32, #tpu.memory_space<vmem_shared>> -> memref<10240x8xf32, #tpu.memory_space<vmem_shared>>
          %dma_wait3A_773 = tpu.memref_slice %arg23[%dma_wait3A_762] : memref<10x!tpu.dma_semaphore, #tpu.memory_space<semaphore_mem>> -> memref<1x!tpu.dma_semaphore, #tpu.memory_space<semaphore_mem>>
          %dma_wait3A_774 = tpu.memref_squeeze %dma_wait3A_773 : memref<1x!tpu.dma_semaphore, #tpu.memory_space<semaphore_mem>> -> memref<!tpu.dma_semaphore, #tpu.memory_space<semaphore_mem>>
          tpu.wait_indirect_dma semaphore(%dma_wait3A_774 : memref<!tpu.dma_semaphore, #tpu.memory_space<semaphore_mem>>) src(%dma_wait3A_766 : memref<128x8xf32, #tpu.memory_space<vmem>>) dst(%dma_wait3A_772 : memref<10240x8xf32, #tpu.memory_space<vmem_shared>>)
        } else {
        }
        %add3A_409 = arith.constant 5 : i32
        %add3A_410 = arith.addi %add3A_370, %add3A_409 : i32
        %lt3A_411 = arith.constant 160 : i32
        %lt3A_412 = arith.cmpi slt, %add3A_410, %lt3A_411 : i32
        %convert_element_type3A_413 = arith.extui %lt3A_412 : i1 to i32
        %cond3A_414 = arith.constant 0 : i32
        %cond3A_415 = arith.cmpi ne, %convert_element_type3A_413, %cond3A_414 : i32
        scf.if %cond3A_415 {
          %add3A_760 = arith.constant 5 : i32
          %add3A_761 = arith.addi %add3A_370, %add3A_760 : i32
          %dma_start3A_762 = arith.constant 7 : i32
          %dma_start3A_763 = arith.constant 7 : i32
          %dma_start3A_764 = arith.constant 0 : i32
          %dma_start3A_765 = arith.constant 0 : i32
          %dma_start3A_766 = tpu.memref_slice %arg11[%dma_start3A_762, %dma_start3A_764, %dma_start3A_765] : memref<10x128x8xf32, #tpu.memory_space<vmem>> -> memref<1x128x8xf32, #tpu.memory_space<vmem>>
          %dma_start3A_767 = tpu.memref_squeeze %dma_start3A_766 : memref<1x128x8xf32, #tpu.memory_space<vmem>> -> memref<128x8xf32, #tpu.memory_space<vmem>>
          %dma_start3A_768 = arith.constant 0 : i32
          %dma_start3A_769 = tpu.memref_slice %arg9[%add3A_761, %dma_start3A_768] : memref<160x128xi32, #tpu.memory_space<vmem>> -> memref<1x128xi32, #tpu.memory_space<vmem>>
          %dma_start3A_770 = tpu.memref_squeeze %dma_start3A_769 : memref<1x128xi32, #tpu.memory_space<vmem>> -> memref<128xi32, #tpu.memory_space<vmem>>
          %dma_start3A_771 = arith.constant 0 : i32
          %dma_start3A_772 = arith.constant 0 : i32
          %dma_start3A_773 = tpu.memref_slice %arg21[%dma_start3A_771, %dma_start3A_772] : memref<10240x8xf32, #tpu.memory_space<vmem_shared>> -> memref<10240x8xf32, #tpu.memory_space<vmem_shared>>
          %dma_start3A_774 = tpu.memref_slice %arg22[%dma_start3A_763] : memref<10x!tpu.dma_semaphore, #tpu.memory_space<semaphore_mem>> -> memref<1x!tpu.dma_semaphore, #tpu.memory_space<semaphore_mem>>
          %dma_start3A_775 = tpu.memref_squeeze %dma_start3A_774 : memref<1x!tpu.dma_semaphore, #tpu.memory_space<semaphore_mem>> -> memref<!tpu.dma_semaphore, #tpu.memory_space<semaphore_mem>>
          tpu.enqueue_indirect_dma source(%dma_start3A_773 : memref<10240x8xf32, #tpu.memory_space<vmem_shared>>) target(%dma_start3A_767 : memref<128x8xf32, #tpu.memory_space<vmem>>) offsets(%dma_start3A_770 : memref<128xi32, #tpu.memory_space<vmem>>) semaphore(%dma_start3A_775 : memref<!tpu.dma_semaphore, #tpu.memory_space<semaphore_mem>>)
        } else {
        }
        %mul3A_416 = arith.constant 10 : i32
        %mul3A_417 = arith.muli %scan3A_273, %mul3A_416 : i32
        %add3A_418 = arith.constant 3 : i32
        %add3A_419 = arith.addi %mul3A_417, %add3A_418 : i32
        %dma_wait3A_420 = arith.constant 3 : i32
        %dma_wait3A_421 = arith.constant 3 : i32
        %dma_wait3A_422 = arith.constant 0 : i32
        %dma_wait3A_423 = arith.constant 0 : i32
        %dma_wait3A_424 = tpu.memref_slice %arg11[%dma_wait3A_420, %dma_wait3A_422, %dma_wait3A_423] : memref<10x128x8xf32, #tpu.memory_space<vmem>> -> memref<1x128x8xf32, #tpu.memory_space<vmem>>
        %dma_wait3A_425 = tpu.memref_squeeze %dma_wait3A_424 : memref<1x128x8xf32, #tpu.memory_space<vmem>> -> memref<128x8xf32, #tpu.memory_space<vmem>>
        %dma_wait3A_426 = arith.constant 0 : i32
        %dma_wait3A_427 = tpu.memref_slice %arg9[%add3A_419, %dma_wait3A_426] : memref<160x128xi32, #tpu.memory_space<vmem>> -> memref<1x128xi32, #tpu.memory_space<vmem>>
        %dma_wait3A_428 = tpu.memref_squeeze %dma_wait3A_427 : memref<1x128xi32, #tpu.memory_space<vmem>> -> memref<128xi32, #tpu.memory_space<vmem>>
        %dma_wait3A_429 = arith.constant 0 : i32
        %dma_wait3A_430 = arith.constant 0 : i32
        %dma_wait3A_431 = tpu.memref_slice %arg21[%dma_wait3A_429, %dma_wait3A_430] : memref<10240x8xf32, #tpu.memory_space<vmem_shared>> -> memref<10240x8xf32, #tpu.memory_space<vmem_shared>>
        %dma_wait3A_432 = tpu.memref_slice %arg22[%dma_wait3A_421] : memref<10x!tpu.dma_semaphore, #tpu.memory_space<semaphore_mem>> -> memref<1x!tpu.dma_semaphore, #tpu.memory_space<semaphore_mem>>
        %dma_wait3A_433 = tpu.memref_squeeze %dma_wait3A_432 : memref<1x!tpu.dma_semaphore, #tpu.memory_space<semaphore_mem>> -> memref<!tpu.dma_semaphore, #tpu.memory_space<semaphore_mem>>
        tpu.wait_indirect_dma semaphore(%dma_wait3A_433 : memref<!tpu.dma_semaphore, #tpu.memory_space<semaphore_mem>>) src(%dma_wait3A_431 : memref<10240x8xf32, #tpu.memory_space<vmem_shared>>) dst(%dma_wait3A_425 : memref<128x8xf32, #tpu.memory_space<vmem>>)
        %dma_start3A_434 = arith.constant 3 : i32
        %dma_start3A_435 = arith.constant 3 : i32
        %dma_start3A_436 = arith.constant 0 : i32
        %dma_start3A_437 = arith.constant 0 : i32
        %dma_start3A_438 = tpu.memref_slice %arg11[%dma_start3A_434, %dma_start3A_436, %dma_start3A_437] : memref<10x128x8xf32, #tpu.memory_space<vmem>> -> memref<1x128x8xf32, #tpu.memory_space<vmem>>
        %dma_start3A_439 = tpu.memref_squeeze %dma_start3A_438 : memref<1x128x8xf32, #tpu.memory_space<vmem>> -> memref<128x8xf32, #tpu.memory_space<vmem>>
        %dma_start3A_440 = arith.constant 0 : i32
        %dma_start3A_441 = tpu.memref_slice %arg10[%add3A_419, %dma_start3A_440] : memref<160x128xi32, #tpu.memory_space<vmem>> -> memref<1x128xi32, #tpu.memory_space<vmem>>
        %dma_start3A_442 = tpu.memref_squeeze %dma_start3A_441 : memref<1x128xi32, #tpu.memory_space<vmem>> -> memref<128xi32, #tpu.memory_space<vmem>>
        %dma_start3A_443 = arith.constant 0 : i32
        %dma_start3A_444 = arith.constant 0 : i32
        %dma_start3A_445 = tpu.memref_slice %arg20[%dma_start3A_443, %dma_start3A_444] : memref<10240x8xf32, #tpu.memory_space<vmem_shared>> -> memref<10240x8xf32, #tpu.memory_space<vmem_shared>>
        %dma_start3A_446 = tpu.memref_slice %arg23[%dma_start3A_435] : memref<10x!tpu.dma_semaphore, #tpu.memory_space<semaphore_mem>> -> memref<1x!tpu.dma_semaphore, #tpu.memory_space<semaphore_mem>>
        %dma_start3A_447 = tpu.memref_squeeze %dma_start3A_446 : memref<1x!tpu.dma_semaphore, #tpu.memory_space<semaphore_mem>> -> memref<!tpu.dma_semaphore, #tpu.memory_space<semaphore_mem>>
        tpu.enqueue_indirect_dma source(%dma_start3A_439 : memref<128x8xf32, #tpu.memory_space<vmem>>) target(%dma_start3A_445 : memref<10240x8xf32, #tpu.memory_space<vmem_shared>>) offsets(%dma_start3A_442 : memref<128xi32, #tpu.memory_space<vmem>>) semaphore(%dma_start3A_447 : memref<!tpu.dma_semaphore, #tpu.memory_space<semaphore_mem>>) {add = true}
        %ge3A_448 = arith.constant 5 : i32
        %ge3A_449 = arith.cmpi sge, %add3A_419, %ge3A_448 : i32
        %add3A_450 = arith.constant 5 : i32
        %add3A_451 = arith.addi %add3A_419, %add3A_450 : i32
        %lt3A_452 = arith.constant 160 : i32
        %lt3A_453 = arith.cmpi slt, %add3A_451, %lt3A_452 : i32
        %and3A_454 = arith.andi %ge3A_449, %lt3A_453 : i1
        %convert_element_type3A_455 = arith.extui %and3A_454 : i1 to i32
        %cond3A_456 = arith.constant 0 : i32
        %cond3A_457 = arith.cmpi ne, %convert_element_type3A_455, %cond3A_456 : i32
        scf.if %cond3A_457 {
          %dma_wait3A_760 = arith.constant 8 : i32
          %dma_wait3A_761 = arith.constant 0 : i32
          %dma_wait3A_762 = arith.constant 8 : i32
          %dma_wait3A_763 = arith.constant 0 : i32
          %dma_wait3A_764 = arith.constant 0 : i32
          %dma_wait3A_765 = tpu.memref_slice %arg11[%dma_wait3A_760, %dma_wait3A_763, %dma_wait3A_764] : memref<10x128x8xf32, #tpu.memory_space<vmem>> -> memref<1x128x8xf32, #tpu.memory_space<vmem>>
          %dma_wait3A_766 = tpu.memref_squeeze %dma_wait3A_765 : memref<1x128x8xf32, #tpu.memory_space<vmem>> -> memref<128x8xf32, #tpu.memory_space<vmem>>
          %dma_wait3A_767 = arith.constant 0 : i32
          %dma_wait3A_768 = tpu.memref_slice %arg10[%dma_wait3A_761, %dma_wait3A_767] : memref<160x128xi32, #tpu.memory_space<vmem>> -> memref<1x128xi32, #tpu.memory_space<vmem>>
          %dma_wait3A_769 = tpu.memref_squeeze %dma_wait3A_768 : memref<1x128xi32, #tpu.memory_space<vmem>> -> memref<128xi32, #tpu.memory_space<vmem>>
          %dma_wait3A_770 = arith.constant 0 : i32
          %dma_wait3A_771 = arith.constant 0 : i32
          %dma_wait3A_772 = tpu.memref_slice %arg20[%dma_wait3A_770, %dma_wait3A_771] : memref<10240x8xf32, #tpu.memory_space<vmem_shared>> -> memref<10240x8xf32, #tpu.memory_space<vmem_shared>>
          %dma_wait3A_773 = tpu.memref_slice %arg23[%dma_wait3A_762] : memref<10x!tpu.dma_semaphore, #tpu.memory_space<semaphore_mem>> -> memref<1x!tpu.dma_semaphore, #tpu.memory_space<semaphore_mem>>
          %dma_wait3A_774 = tpu.memref_squeeze %dma_wait3A_773 : memref<1x!tpu.dma_semaphore, #tpu.memory_space<semaphore_mem>> -> memref<!tpu.dma_semaphore, #tpu.memory_space<semaphore_mem>>
          tpu.wait_indirect_dma semaphore(%dma_wait3A_774 : memref<!tpu.dma_semaphore, #tpu.memory_space<semaphore_mem>>) src(%dma_wait3A_766 : memref<128x8xf32, #tpu.memory_space<vmem>>) dst(%dma_wait3A_772 : memref<10240x8xf32, #tpu.memory_space<vmem_shared>>)
        } else {
        }
        %add3A_458 = arith.constant 5 : i32
        %add3A_459 = arith.addi %add3A_419, %add3A_458 : i32
        %lt3A_460 = arith.constant 160 : i32
        %lt3A_461 = arith.cmpi slt, %add3A_459, %lt3A_460 : i32
        %convert_element_type3A_462 = arith.extui %lt3A_461 : i1 to i32
        %cond3A_463 = arith.constant 0 : i32
        %cond3A_464 = arith.cmpi ne, %convert_element_type3A_462, %cond3A_463 : i32
        scf.if %cond3A_464 {
          %add3A_760 = arith.constant 5 : i32
          %add3A_761 = arith.addi %add3A_419, %add3A_760 : i32
          %dma_start3A_762 = arith.constant 8 : i32
          %dma_start3A_763 = arith.constant 8 : i32
          %dma_start3A_764 = arith.constant 0 : i32
          %dma_start3A_765 = arith.constant 0 : i32
          %dma_start3A_766 = tpu.memref_slice %arg11[%dma_start3A_762, %dma_start3A_764, %dma_start3A_765] : memref<10x128x8xf32, #tpu.memory_space<vmem>> -> memref<1x128x8xf32, #tpu.memory_space<vmem>>
          %dma_start3A_767 = tpu.memref_squeeze %dma_start3A_766 : memref<1x128x8xf32, #tpu.memory_space<vmem>> -> memref<128x8xf32, #tpu.memory_space<vmem>>
          %dma_start3A_768 = arith.constant 0 : i32
          %dma_start3A_769 = tpu.memref_slice %arg9[%add3A_761, %dma_start3A_768] : memref<160x128xi32, #tpu.memory_space<vmem>> -> memref<1x128xi32, #tpu.memory_space<vmem>>
          %dma_start3A_770 = tpu.memref_squeeze %dma_start3A_769 : memref<1x128xi32, #tpu.memory_space<vmem>> -> memref<128xi32, #tpu.memory_space<vmem>>
          %dma_start3A_771 = arith.constant 0 : i32
          %dma_start3A_772 = arith.constant 0 : i32
          %dma_start3A_773 = tpu.memref_slice %arg21[%dma_start3A_771, %dma_start3A_772] : memref<10240x8xf32, #tpu.memory_space<vmem_shared>> -> memref<10240x8xf32, #tpu.memory_space<vmem_shared>>
          %dma_start3A_774 = tpu.memref_slice %arg22[%dma_start3A_763] : memref<10x!tpu.dma_semaphore, #tpu.memory_space<semaphore_mem>> -> memref<1x!tpu.dma_semaphore, #tpu.memory_space<semaphore_mem>>
          %dma_start3A_775 = tpu.memref_squeeze %dma_start3A_774 : memref<1x!tpu.dma_semaphore, #tpu.memory_space<semaphore_mem>> -> memref<!tpu.dma_semaphore, #tpu.memory_space<semaphore_mem>>
          tpu.enqueue_indirect_dma source(%dma_start3A_773 : memref<10240x8xf32, #tpu.memory_space<vmem_shared>>) target(%dma_start3A_767 : memref<128x8xf32, #tpu.memory_space<vmem>>) offsets(%dma_start3A_770 : memref<128xi32, #tpu.memory_space<vmem>>) semaphore(%dma_start3A_775 : memref<!tpu.dma_semaphore, #tpu.memory_space<semaphore_mem>>)
        } else {
        }
        %mul3A_465 = arith.constant 10 : i32
        %mul3A_466 = arith.muli %scan3A_273, %mul3A_465 : i32
        %add3A_467 = arith.constant 4 : i32
        %add3A_468 = arith.addi %mul3A_466, %add3A_467 : i32
        %dma_wait3A_469 = arith.constant 4 : i32
        %dma_wait3A_470 = arith.constant 4 : i32
        %dma_wait3A_471 = arith.constant 0 : i32
        %dma_wait3A_472 = arith.constant 0 : i32
        %dma_wait3A_473 = tpu.memref_slice %arg11[%dma_wait3A_469, %dma_wait3A_471, %dma_wait3A_472] : memref<10x128x8xf32, #tpu.memory_space<vmem>> -> memref<1x128x8xf32, #tpu.memory_space<vmem>>
        %dma_wait3A_474 = tpu.memref_squeeze %dma_wait3A_473 : memref<1x128x8xf32, #tpu.memory_space<vmem>> -> memref<128x8xf32, #tpu.memory_space<vmem>>
        %dma_wait3A_475 = arith.constant 0 : i32
        %dma_wait3A_476 = tpu.memref_slice %arg9[%add3A_468, %dma_wait3A_475] : memref<160x128xi32, #tpu.memory_space<vmem>> -> memref<1x128xi32, #tpu.memory_space<vmem>>
        %dma_wait3A_477 = tpu.memref_squeeze %dma_wait3A_476 : memref<1x128xi32, #tpu.memory_space<vmem>> -> memref<128xi32, #tpu.memory_space<vmem>>
        %dma_wait3A_478 = arith.constant 0 : i32
        %dma_wait3A_479 = arith.constant 0 : i32
        %dma_wait3A_480 = tpu.memref_slice %arg21[%dma_wait3A_478, %dma_wait3A_479] : memref<10240x8xf32, #tpu.memory_space<vmem_shared>> -> memref<10240x8xf32, #tpu.memory_space<vmem_shared>>
        %dma_wait3A_481 = tpu.memref_slice %arg22[%dma_wait3A_470] : memref<10x!tpu.dma_semaphore, #tpu.memory_space<semaphore_mem>> -> memref<1x!tpu.dma_semaphore, #tpu.memory_space<semaphore_mem>>
        %dma_wait3A_482 = tpu.memref_squeeze %dma_wait3A_481 : memref<1x!tpu.dma_semaphore, #tpu.memory_space<semaphore_mem>> -> memref<!tpu.dma_semaphore, #tpu.memory_space<semaphore_mem>>
        tpu.wait_indirect_dma semaphore(%dma_wait3A_482 : memref<!tpu.dma_semaphore, #tpu.memory_space<semaphore_mem>>) src(%dma_wait3A_480 : memref<10240x8xf32, #tpu.memory_space<vmem_shared>>) dst(%dma_wait3A_474 : memref<128x8xf32, #tpu.memory_space<vmem>>)
        %dma_start3A_483 = arith.constant 4 : i32
        %dma_start3A_484 = arith.constant 4 : i32
        %dma_start3A_485 = arith.constant 0 : i32
        %dma_start3A_486 = arith.constant 0 : i32
        %dma_start3A_487 = tpu.memref_slice %arg11[%dma_start3A_483, %dma_start3A_485, %dma_start3A_486] : memref<10x128x8xf32, #tpu.memory_space<vmem>> -> memref<1x128x8xf32, #tpu.memory_space<vmem>>
        %dma_start3A_488 = tpu.memref_squeeze %dma_start3A_487 : memref<1x128x8xf32, #tpu.memory_space<vmem>> -> memref<128x8xf32, #tpu.memory_space<vmem>>
        %dma_start3A_489 = arith.constant 0 : i32
        %dma_start3A_490 = tpu.memref_slice %arg10[%add3A_468, %dma_start3A_489] : memref<160x128xi32, #tpu.memory_space<vmem>> -> memref<1x128xi32, #tpu.memory_space<vmem>>
        %dma_start3A_491 = tpu.memref_squeeze %dma_start3A_490 : memref<1x128xi32, #tpu.memory_space<vmem>> -> memref<128xi32, #tpu.memory_space<vmem>>
        %dma_start3A_492 = arith.constant 0 : i32
        %dma_start3A_493 = arith.constant 0 : i32
        %dma_start3A_494 = tpu.memref_slice %arg20[%dma_start3A_492, %dma_start3A_493] : memref<10240x8xf32, #tpu.memory_space<vmem_shared>> -> memref<10240x8xf32, #tpu.memory_space<vmem_shared>>
        %dma_start3A_495 = tpu.memref_slice %arg23[%dma_start3A_484] : memref<10x!tpu.dma_semaphore, #tpu.memory_space<semaphore_mem>> -> memref<1x!tpu.dma_semaphore, #tpu.memory_space<semaphore_mem>>
        %dma_start3A_496 = tpu.memref_squeeze %dma_start3A_495 : memref<1x!tpu.dma_semaphore, #tpu.memory_space<semaphore_mem>> -> memref<!tpu.dma_semaphore, #tpu.memory_space<semaphore_mem>>
        tpu.enqueue_indirect_dma source(%dma_start3A_488 : memref<128x8xf32, #tpu.memory_space<vmem>>) target(%dma_start3A_494 : memref<10240x8xf32, #tpu.memory_space<vmem_shared>>) offsets(%dma_start3A_491 : memref<128xi32, #tpu.memory_space<vmem>>) semaphore(%dma_start3A_496 : memref<!tpu.dma_semaphore, #tpu.memory_space<semaphore_mem>>) {add = true}
        %ge3A_497 = arith.constant 5 : i32
        %ge3A_498 = arith.cmpi sge, %add3A_468, %ge3A_497 : i32
        %add3A_499 = arith.constant 5 : i32
        %add3A_500 = arith.addi %add3A_468, %add3A_499 : i32
        %lt3A_501 = arith.constant 160 : i32
        %lt3A_502 = arith.cmpi slt, %add3A_500, %lt3A_501 : i32
        %and3A_503 = arith.andi %ge3A_498, %lt3A_502 : i1
        %convert_element_type3A_504 = arith.extui %and3A_503 : i1 to i32
        %cond3A_505 = arith.constant 0 : i32
        %cond3A_506 = arith.cmpi ne, %convert_element_type3A_504, %cond3A_505 : i32
        scf.if %cond3A_506 {
          %dma_wait3A_760 = arith.constant 9 : i32
          %dma_wait3A_761 = arith.constant 0 : i32
          %dma_wait3A_762 = arith.constant 9 : i32
          %dma_wait3A_763 = arith.constant 0 : i32
          %dma_wait3A_764 = arith.constant 0 : i32
          %dma_wait3A_765 = tpu.memref_slice %arg11[%dma_wait3A_760, %dma_wait3A_763, %dma_wait3A_764] : memref<10x128x8xf32, #tpu.memory_space<vmem>> -> memref<1x128x8xf32, #tpu.memory_space<vmem>>
          %dma_wait3A_766 = tpu.memref_squeeze %dma_wait3A_765 : memref<1x128x8xf32, #tpu.memory_space<vmem>> -> memref<128x8xf32, #tpu.memory_space<vmem>>
          %dma_wait3A_767 = arith.constant 0 : i32
          %dma_wait3A_768 = tpu.memref_slice %arg10[%dma_wait3A_761, %dma_wait3A_767] : memref<160x128xi32, #tpu.memory_space<vmem>> -> memref<1x128xi32, #tpu.memory_space<vmem>>
          %dma_wait3A_769 = tpu.memref_squeeze %dma_wait3A_768 : memref<1x128xi32, #tpu.memory_space<vmem>> -> memref<128xi32, #tpu.memory_space<vmem>>
          %dma_wait3A_770 = arith.constant 0 : i32
          %dma_wait3A_771 = arith.constant 0 : i32
          %dma_wait3A_772 = tpu.memref_slice %arg20[%dma_wait3A_770, %dma_wait3A_771] : memref<10240x8xf32, #tpu.memory_space<vmem_shared>> -> memref<10240x8xf32, #tpu.memory_space<vmem_shared>>
          %dma_wait3A_773 = tpu.memref_slice %arg23[%dma_wait3A_762] : memref<10x!tpu.dma_semaphore, #tpu.memory_space<semaphore_mem>> -> memref<1x!tpu.dma_semaphore, #tpu.memory_space<semaphore_mem>>
          %dma_wait3A_774 = tpu.memref_squeeze %dma_wait3A_773 : memref<1x!tpu.dma_semaphore, #tpu.memory_space<semaphore_mem>> -> memref<!tpu.dma_semaphore, #tpu.memory_space<semaphore_mem>>
          tpu.wait_indirect_dma semaphore(%dma_wait3A_774 : memref<!tpu.dma_semaphore, #tpu.memory_space<semaphore_mem>>) src(%dma_wait3A_766 : memref<128x8xf32, #tpu.memory_space<vmem>>) dst(%dma_wait3A_772 : memref<10240x8xf32, #tpu.memory_space<vmem_shared>>)
        } else {
        }
        %add3A_507 = arith.constant 5 : i32
        %add3A_508 = arith.addi %add3A_468, %add3A_507 : i32
        %lt3A_509 = arith.constant 160 : i32
        %lt3A_510 = arith.cmpi slt, %add3A_508, %lt3A_509 : i32
        %convert_element_type3A_511 = arith.extui %lt3A_510 : i1 to i32
        %cond3A_512 = arith.constant 0 : i32
        %cond3A_513 = arith.cmpi ne, %convert_element_type3A_511, %cond3A_512 : i32
        scf.if %cond3A_513 {
          %add3A_760 = arith.constant 5 : i32
          %add3A_761 = arith.addi %add3A_468, %add3A_760 : i32
          %dma_start3A_762 = arith.constant 9 : i32
          %dma_start3A_763 = arith.constant 9 : i32
          %dma_start3A_764 = arith.constant 0 : i32
          %dma_start3A_765 = arith.constant 0 : i32
          %dma_start3A_766 = tpu.memref_slice %arg11[%dma_start3A_762, %dma_start3A_764, %dma_start3A_765] : memref<10x128x8xf32, #tpu.memory_space<vmem>> -> memref<1x128x8xf32, #tpu.memory_space<vmem>>
          %dma_start3A_767 = tpu.memref_squeeze %dma_start3A_766 : memref<1x128x8xf32, #tpu.memory_space<vmem>> -> memref<128x8xf32, #tpu.memory_space<vmem>>
          %dma_start3A_768 = arith.constant 0 : i32
          %dma_start3A_769 = tpu.memref_slice %arg9[%add3A_761, %dma_start3A_768] : memref<160x128xi32, #tpu.memory_space<vmem>> -> memref<1x128xi32, #tpu.memory_space<vmem>>
          %dma_start3A_770 = tpu.memref_squeeze %dma_start3A_769 : memref<1x128xi32, #tpu.memory_space<vmem>> -> memref<128xi32, #tpu.memory_space<vmem>>
          %dma_start3A_771 = arith.constant 0 : i32
          %dma_start3A_772 = arith.constant 0 : i32
          %dma_start3A_773 = tpu.memref_slice %arg21[%dma_start3A_771, %dma_start3A_772] : memref<10240x8xf32, #tpu.memory_space<vmem_shared>> -> memref<10240x8xf32, #tpu.memory_space<vmem_shared>>
          %dma_start3A_774 = tpu.memref_slice %arg22[%dma_start3A_763] : memref<10x!tpu.dma_semaphore, #tpu.memory_space<semaphore_mem>> -> memref<1x!tpu.dma_semaphore, #tpu.memory_space<semaphore_mem>>
          %dma_start3A_775 = tpu.memref_squeeze %dma_start3A_774 : memref<1x!tpu.dma_semaphore, #tpu.memory_space<semaphore_mem>> -> memref<!tpu.dma_semaphore, #tpu.memory_space<semaphore_mem>>
          tpu.enqueue_indirect_dma source(%dma_start3A_773 : memref<10240x8xf32, #tpu.memory_space<vmem_shared>>) target(%dma_start3A_767 : memref<128x8xf32, #tpu.memory_space<vmem>>) offsets(%dma_start3A_770 : memref<128xi32, #tpu.memory_space<vmem>>) semaphore(%dma_start3A_775 : memref<!tpu.dma_semaphore, #tpu.memory_space<semaphore_mem>>)
        } else {
        }
        %mul3A_514 = arith.constant 10 : i32
        %mul3A_515 = arith.muli %scan3A_273, %mul3A_514 : i32
        %add3A_516 = arith.constant 5 : i32
        %add3A_517 = arith.addi %mul3A_515, %add3A_516 : i32
        %dma_wait3A_518 = arith.constant 5 : i32
        %dma_wait3A_519 = arith.constant 5 : i32
        %dma_wait3A_520 = arith.constant 0 : i32
        %dma_wait3A_521 = arith.constant 0 : i32
        %dma_wait3A_522 = tpu.memref_slice %arg11[%dma_wait3A_518, %dma_wait3A_520, %dma_wait3A_521] : memref<10x128x8xf32, #tpu.memory_space<vmem>> -> memref<1x128x8xf32, #tpu.memory_space<vmem>>
        %dma_wait3A_523 = tpu.memref_squeeze %dma_wait3A_522 : memref<1x128x8xf32, #tpu.memory_space<vmem>> -> memref<128x8xf32, #tpu.memory_space<vmem>>
        %dma_wait3A_524 = arith.constant 0 : i32
        %dma_wait3A_525 = tpu.memref_slice %arg9[%add3A_517, %dma_wait3A_524] : memref<160x128xi32, #tpu.memory_space<vmem>> -> memref<1x128xi32, #tpu.memory_space<vmem>>
        %dma_wait3A_526 = tpu.memref_squeeze %dma_wait3A_525 : memref<1x128xi32, #tpu.memory_space<vmem>> -> memref<128xi32, #tpu.memory_space<vmem>>
        %dma_wait3A_527 = arith.constant 0 : i32
        %dma_wait3A_528 = arith.constant 0 : i32
        %dma_wait3A_529 = tpu.memref_slice %arg21[%dma_wait3A_527, %dma_wait3A_528] : memref<10240x8xf32, #tpu.memory_space<vmem_shared>> -> memref<10240x8xf32, #tpu.memory_space<vmem_shared>>
        %dma_wait3A_530 = tpu.memref_slice %arg22[%dma_wait3A_519] : memref<10x!tpu.dma_semaphore, #tpu.memory_space<semaphore_mem>> -> memref<1x!tpu.dma_semaphore, #tpu.memory_space<semaphore_mem>>
        %dma_wait3A_531 = tpu.memref_squeeze %dma_wait3A_530 : memref<1x!tpu.dma_semaphore, #tpu.memory_space<semaphore_mem>> -> memref<!tpu.dma_semaphore, #tpu.memory_space<semaphore_mem>>
        tpu.wait_indirect_dma semaphore(%dma_wait3A_531 : memref<!tpu.dma_semaphore, #tpu.memory_space<semaphore_mem>>) src(%dma_wait3A_529 : memref<10240x8xf32, #tpu.memory_space<vmem_shared>>) dst(%dma_wait3A_523 : memref<128x8xf32, #tpu.memory_space<vmem>>)
        %dma_start3A_532 = arith.constant 5 : i32
        %dma_start3A_533 = arith.constant 5 : i32
        %dma_start3A_534 = arith.constant 0 : i32
        %dma_start3A_535 = arith.constant 0 : i32
        %dma_start3A_536 = tpu.memref_slice %arg11[%dma_start3A_532, %dma_start3A_534, %dma_start3A_535] : memref<10x128x8xf32, #tpu.memory_space<vmem>> -> memref<1x128x8xf32, #tpu.memory_space<vmem>>
        %dma_start3A_537 = tpu.memref_squeeze %dma_start3A_536 : memref<1x128x8xf32, #tpu.memory_space<vmem>> -> memref<128x8xf32, #tpu.memory_space<vmem>>
        %dma_start3A_538 = arith.constant 0 : i32
        %dma_start3A_539 = tpu.memref_slice %arg10[%add3A_517, %dma_start3A_538] : memref<160x128xi32, #tpu.memory_space<vmem>> -> memref<1x128xi32, #tpu.memory_space<vmem>>
        %dma_start3A_540 = tpu.memref_squeeze %dma_start3A_539 : memref<1x128xi32, #tpu.memory_space<vmem>> -> memref<128xi32, #tpu.memory_space<vmem>>
        %dma_start3A_541 = arith.constant 0 : i32
        %dma_start3A_542 = arith.constant 0 : i32
        %dma_start3A_543 = tpu.memref_slice %arg20[%dma_start3A_541, %dma_start3A_542] : memref<10240x8xf32, #tpu.memory_space<vmem_shared>> -> memref<10240x8xf32, #tpu.memory_space<vmem_shared>>
        %dma_start3A_544 = tpu.memref_slice %arg23[%dma_start3A_533] : memref<10x!tpu.dma_semaphore, #tpu.memory_space<semaphore_mem>> -> memref<1x!tpu.dma_semaphore, #tpu.memory_space<semaphore_mem>>
        %dma_start3A_545 = tpu.memref_squeeze %dma_start3A_544 : memref<1x!tpu.dma_semaphore, #tpu.memory_space<semaphore_mem>> -> memref<!tpu.dma_semaphore, #tpu.memory_space<semaphore_mem>>
        tpu.enqueue_indirect_dma source(%dma_start3A_537 : memref<128x8xf32, #tpu.memory_space<vmem>>) target(%dma_start3A_543 : memref<10240x8xf32, #tpu.memory_space<vmem_shared>>) offsets(%dma_start3A_540 : memref<128xi32, #tpu.memory_space<vmem>>) semaphore(%dma_start3A_545 : memref<!tpu.dma_semaphore, #tpu.memory_space<semaphore_mem>>) {add = true}
        %ge3A_546 = arith.constant 5 : i32
        %ge3A_547 = arith.cmpi sge, %add3A_517, %ge3A_546 : i32
        %add3A_548 = arith.constant 5 : i32
        %add3A_549 = arith.addi %add3A_517, %add3A_548 : i32
        %lt3A_550 = arith.constant 160 : i32
        %lt3A_551 = arith.cmpi slt, %add3A_549, %lt3A_550 : i32
        %and3A_552 = arith.andi %ge3A_547, %lt3A_551 : i1
        %convert_element_type3A_553 = arith.extui %and3A_552 : i1 to i32
        %cond3A_554 = arith.constant 0 : i32
        %cond3A_555 = arith.cmpi ne, %convert_element_type3A_553, %cond3A_554 : i32
        scf.if %cond3A_555 {
          %dma_wait3A_760 = arith.constant 0 : i32
          %dma_wait3A_761 = arith.constant 0 : i32
          %dma_wait3A_762 = arith.constant 0 : i32
          %dma_wait3A_763 = arith.constant 0 : i32
          %dma_wait3A_764 = arith.constant 0 : i32
          %dma_wait3A_765 = tpu.memref_slice %arg11[%dma_wait3A_760, %dma_wait3A_763, %dma_wait3A_764] : memref<10x128x8xf32, #tpu.memory_space<vmem>> -> memref<1x128x8xf32, #tpu.memory_space<vmem>>
          %dma_wait3A_766 = tpu.memref_squeeze %dma_wait3A_765 : memref<1x128x8xf32, #tpu.memory_space<vmem>> -> memref<128x8xf32, #tpu.memory_space<vmem>>
          %dma_wait3A_767 = arith.constant 0 : i32
          %dma_wait3A_768 = tpu.memref_slice %arg10[%dma_wait3A_761, %dma_wait3A_767] : memref<160x128xi32, #tpu.memory_space<vmem>> -> memref<1x128xi32, #tpu.memory_space<vmem>>
          %dma_wait3A_769 = tpu.memref_squeeze %dma_wait3A_768 : memref<1x128xi32, #tpu.memory_space<vmem>> -> memref<128xi32, #tpu.memory_space<vmem>>
          %dma_wait3A_770 = arith.constant 0 : i32
          %dma_wait3A_771 = arith.constant 0 : i32
          %dma_wait3A_772 = tpu.memref_slice %arg20[%dma_wait3A_770, %dma_wait3A_771] : memref<10240x8xf32, #tpu.memory_space<vmem_shared>> -> memref<10240x8xf32, #tpu.memory_space<vmem_shared>>
          %dma_wait3A_773 = tpu.memref_slice %arg23[%dma_wait3A_762] : memref<10x!tpu.dma_semaphore, #tpu.memory_space<semaphore_mem>> -> memref<1x!tpu.dma_semaphore, #tpu.memory_space<semaphore_mem>>
          %dma_wait3A_774 = tpu.memref_squeeze %dma_wait3A_773 : memref<1x!tpu.dma_semaphore, #tpu.memory_space<semaphore_mem>> -> memref<!tpu.dma_semaphore, #tpu.memory_space<semaphore_mem>>
          tpu.wait_indirect_dma semaphore(%dma_wait3A_774 : memref<!tpu.dma_semaphore, #tpu.memory_space<semaphore_mem>>) src(%dma_wait3A_766 : memref<128x8xf32, #tpu.memory_space<vmem>>) dst(%dma_wait3A_772 : memref<10240x8xf32, #tpu.memory_space<vmem_shared>>)
        } else {
        }
        %add3A_556 = arith.constant 5 : i32
        %add3A_557 = arith.addi %add3A_517, %add3A_556 : i32
        %lt3A_558 = arith.constant 160 : i32
        %lt3A_559 = arith.cmpi slt, %add3A_557, %lt3A_558 : i32
        %convert_element_type3A_560 = arith.extui %lt3A_559 : i1 to i32
        %cond3A_561 = arith.constant 0 : i32
        %cond3A_562 = arith.cmpi ne, %convert_element_type3A_560, %cond3A_561 : i32
        scf.if %cond3A_562 {
          %add3A_760 = arith.constant 5 : i32
          %add3A_761 = arith.addi %add3A_517, %add3A_760 : i32
          %dma_start3A_762 = arith.constant 0 : i32
          %dma_start3A_763 = arith.constant 0 : i32
          %dma_start3A_764 = arith.constant 0 : i32
          %dma_start3A_765 = arith.constant 0 : i32
          %dma_start3A_766 = tpu.memref_slice %arg11[%dma_start3A_762, %dma_start3A_764, %dma_start3A_765] : memref<10x128x8xf32, #tpu.memory_space<vmem>> -> memref<1x128x8xf32, #tpu.memory_space<vmem>>
          %dma_start3A_767 = tpu.memref_squeeze %dma_start3A_766 : memref<1x128x8xf32, #tpu.memory_space<vmem>> -> memref<128x8xf32, #tpu.memory_space<vmem>>
          %dma_start3A_768 = arith.constant 0 : i32
          %dma_start3A_769 = tpu.memref_slice %arg9[%add3A_761, %dma_start3A_768] : memref<160x128xi32, #tpu.memory_space<vmem>> -> memref<1x128xi32, #tpu.memory_space<vmem>>
          %dma_start3A_770 = tpu.memref_squeeze %dma_start3A_769 : memref<1x128xi32, #tpu.memory_space<vmem>> -> memref<128xi32, #tpu.memory_space<vmem>>
          %dma_start3A_771 = arith.constant 0 : i32
          %dma_start3A_772 = arith.constant 0 : i32
          %dma_start3A_773 = tpu.memref_slice %arg21[%dma_start3A_771, %dma_start3A_772] : memref<10240x8xf32, #tpu.memory_space<vmem_shared>> -> memref<10240x8xf32, #tpu.memory_space<vmem_shared>>
          %dma_start3A_774 = tpu.memref_slice %arg22[%dma_start3A_763] : memref<10x!tpu.dma_semaphore, #tpu.memory_space<semaphore_mem>> -> memref<1x!tpu.dma_semaphore, #tpu.memory_space<semaphore_mem>>
          %dma_start3A_775 = tpu.memref_squeeze %dma_start3A_774 : memref<1x!tpu.dma_semaphore, #tpu.memory_space<semaphore_mem>> -> memref<!tpu.dma_semaphore, #tpu.memory_space<semaphore_mem>>
          tpu.enqueue_indirect_dma source(%dma_start3A_773 : memref<10240x8xf32, #tpu.memory_space<vmem_shared>>) target(%dma_start3A_767 : memref<128x8xf32, #tpu.memory_space<vmem>>) offsets(%dma_start3A_770 : memref<128xi32, #tpu.memory_space<vmem>>) semaphore(%dma_start3A_775 : memref<!tpu.dma_semaphore, #tpu.memory_space<semaphore_mem>>)
        } else {
        }
        %mul3A_563 = arith.constant 10 : i32
        %mul3A_564 = arith.muli %scan3A_273, %mul3A_563 : i32
        %add3A_565 = arith.constant 6 : i32
        %add3A_566 = arith.addi %mul3A_564, %add3A_565 : i32
        %dma_wait3A_567 = arith.constant 6 : i32
        %dma_wait3A_568 = arith.constant 6 : i32
        %dma_wait3A_569 = arith.constant 0 : i32
        %dma_wait3A_570 = arith.constant 0 : i32
        %dma_wait3A_571 = tpu.memref_slice %arg11[%dma_wait3A_567, %dma_wait3A_569, %dma_wait3A_570] : memref<10x128x8xf32, #tpu.memory_space<vmem>> -> memref<1x128x8xf32, #tpu.memory_space<vmem>>
        %dma_wait3A_572 = tpu.memref_squeeze %dma_wait3A_571 : memref<1x128x8xf32, #tpu.memory_space<vmem>> -> memref<128x8xf32, #tpu.memory_space<vmem>>
        %dma_wait3A_573 = arith.constant 0 : i32
        %dma_wait3A_574 = tpu.memref_slice %arg9[%add3A_566, %dma_wait3A_573] : memref<160x128xi32, #tpu.memory_space<vmem>> -> memref<1x128xi32, #tpu.memory_space<vmem>>
        %dma_wait3A_575 = tpu.memref_squeeze %dma_wait3A_574 : memref<1x128xi32, #tpu.memory_space<vmem>> -> memref<128xi32, #tpu.memory_space<vmem>>
        %dma_wait3A_576 = arith.constant 0 : i32
        %dma_wait3A_577 = arith.constant 0 : i32
        %dma_wait3A_578 = tpu.memref_slice %arg21[%dma_wait3A_576, %dma_wait3A_577] : memref<10240x8xf32, #tpu.memory_space<vmem_shared>> -> memref<10240x8xf32, #tpu.memory_space<vmem_shared>>
        %dma_wait3A_579 = tpu.memref_slice %arg22[%dma_wait3A_568] : memref<10x!tpu.dma_semaphore, #tpu.memory_space<semaphore_mem>> -> memref<1x!tpu.dma_semaphore, #tpu.memory_space<semaphore_mem>>
        %dma_wait3A_580 = tpu.memref_squeeze %dma_wait3A_579 : memref<1x!tpu.dma_semaphore, #tpu.memory_space<semaphore_mem>> -> memref<!tpu.dma_semaphore, #tpu.memory_space<semaphore_mem>>
        tpu.wait_indirect_dma semaphore(%dma_wait3A_580 : memref<!tpu.dma_semaphore, #tpu.memory_space<semaphore_mem>>) src(%dma_wait3A_578 : memref<10240x8xf32, #tpu.memory_space<vmem_shared>>) dst(%dma_wait3A_572 : memref<128x8xf32, #tpu.memory_space<vmem>>)
        %dma_start3A_581 = arith.constant 6 : i32
        %dma_start3A_582 = arith.constant 6 : i32
        %dma_start3A_583 = arith.constant 0 : i32
        %dma_start3A_584 = arith.constant 0 : i32
        %dma_start3A_585 = tpu.memref_slice %arg11[%dma_start3A_581, %dma_start3A_583, %dma_start3A_584] : memref<10x128x8xf32, #tpu.memory_space<vmem>> -> memref<1x128x8xf32, #tpu.memory_space<vmem>>
        %dma_start3A_586 = tpu.memref_squeeze %dma_start3A_585 : memref<1x128x8xf32, #tpu.memory_space<vmem>> -> memref<128x8xf32, #tpu.memory_space<vmem>>
        %dma_start3A_587 = arith.constant 0 : i32
        %dma_start3A_588 = tpu.memref_slice %arg10[%add3A_566, %dma_start3A_587] : memref<160x128xi32, #tpu.memory_space<vmem>> -> memref<1x128xi32, #tpu.memory_space<vmem>>
        %dma_start3A_589 = tpu.memref_squeeze %dma_start3A_588 : memref<1x128xi32, #tpu.memory_space<vmem>> -> memref<128xi32, #tpu.memory_space<vmem>>
        %dma_start3A_590 = arith.constant 0 : i32
        %dma_start3A_591 = arith.constant 0 : i32
        %dma_start3A_592 = tpu.memref_slice %arg20[%dma_start3A_590, %dma_start3A_591] : memref<10240x8xf32, #tpu.memory_space<vmem_shared>> -> memref<10240x8xf32, #tpu.memory_space<vmem_shared>>
        %dma_start3A_593 = tpu.memref_slice %arg23[%dma_start3A_582] : memref<10x!tpu.dma_semaphore, #tpu.memory_space<semaphore_mem>> -> memref<1x!tpu.dma_semaphore, #tpu.memory_space<semaphore_mem>>
        %dma_start3A_594 = tpu.memref_squeeze %dma_start3A_593 : memref<1x!tpu.dma_semaphore, #tpu.memory_space<semaphore_mem>> -> memref<!tpu.dma_semaphore, #tpu.memory_space<semaphore_mem>>
        tpu.enqueue_indirect_dma source(%dma_start3A_586 : memref<128x8xf32, #tpu.memory_space<vmem>>) target(%dma_start3A_592 : memref<10240x8xf32, #tpu.memory_space<vmem_shared>>) offsets(%dma_start3A_589 : memref<128xi32, #tpu.memory_space<vmem>>) semaphore(%dma_start3A_594 : memref<!tpu.dma_semaphore, #tpu.memory_space<semaphore_mem>>) {add = true}
        %ge3A_595 = arith.constant 5 : i32
        %ge3A_596 = arith.cmpi sge, %add3A_566, %ge3A_595 : i32
        %add3A_597 = arith.constant 5 : i32
        %add3A_598 = arith.addi %add3A_566, %add3A_597 : i32
        %lt3A_599 = arith.constant 160 : i32
        %lt3A_600 = arith.cmpi slt, %add3A_598, %lt3A_599 : i32
        %and3A_601 = arith.andi %ge3A_596, %lt3A_600 : i1
        %convert_element_type3A_602 = arith.extui %and3A_601 : i1 to i32
        %cond3A_603 = arith.constant 0 : i32
        %cond3A_604 = arith.cmpi ne, %convert_element_type3A_602, %cond3A_603 : i32
        scf.if %cond3A_604 {
          %dma_wait3A_760 = arith.constant 1 : i32
          %dma_wait3A_761 = arith.constant 0 : i32
          %dma_wait3A_762 = arith.constant 1 : i32
          %dma_wait3A_763 = arith.constant 0 : i32
          %dma_wait3A_764 = arith.constant 0 : i32
          %dma_wait3A_765 = tpu.memref_slice %arg11[%dma_wait3A_760, %dma_wait3A_763, %dma_wait3A_764] : memref<10x128x8xf32, #tpu.memory_space<vmem>> -> memref<1x128x8xf32, #tpu.memory_space<vmem>>
          %dma_wait3A_766 = tpu.memref_squeeze %dma_wait3A_765 : memref<1x128x8xf32, #tpu.memory_space<vmem>> -> memref<128x8xf32, #tpu.memory_space<vmem>>
          %dma_wait3A_767 = arith.constant 0 : i32
          %dma_wait3A_768 = tpu.memref_slice %arg10[%dma_wait3A_761, %dma_wait3A_767] : memref<160x128xi32, #tpu.memory_space<vmem>> -> memref<1x128xi32, #tpu.memory_space<vmem>>
          %dma_wait3A_769 = tpu.memref_squeeze %dma_wait3A_768 : memref<1x128xi32, #tpu.memory_space<vmem>> -> memref<128xi32, #tpu.memory_space<vmem>>
          %dma_wait3A_770 = arith.constant 0 : i32
          %dma_wait3A_771 = arith.constant 0 : i32
          %dma_wait3A_772 = tpu.memref_slice %arg20[%dma_wait3A_770, %dma_wait3A_771] : memref<10240x8xf32, #tpu.memory_space<vmem_shared>> -> memref<10240x8xf32, #tpu.memory_space<vmem_shared>>
          %dma_wait3A_773 = tpu.memref_slice %arg23[%dma_wait3A_762] : memref<10x!tpu.dma_semaphore, #tpu.memory_space<semaphore_mem>> -> memref<1x!tpu.dma_semaphore, #tpu.memory_space<semaphore_mem>>
          %dma_wait3A_774 = tpu.memref_squeeze %dma_wait3A_773 : memref<1x!tpu.dma_semaphore, #tpu.memory_space<semaphore_mem>> -> memref<!tpu.dma_semaphore, #tpu.memory_space<semaphore_mem>>
          tpu.wait_indirect_dma semaphore(%dma_wait3A_774 : memref<!tpu.dma_semaphore, #tpu.memory_space<semaphore_mem>>) src(%dma_wait3A_766 : memref<128x8xf32, #tpu.memory_space<vmem>>) dst(%dma_wait3A_772 : memref<10240x8xf32, #tpu.memory_space<vmem_shared>>)
        } else {
        }
        %add3A_605 = arith.constant 5 : i32
        %add3A_606 = arith.addi %add3A_566, %add3A_605 : i32
        %lt3A_607 = arith.constant 160 : i32
        %lt3A_608 = arith.cmpi slt, %add3A_606, %lt3A_607 : i32
        %convert_element_type3A_609 = arith.extui %lt3A_608 : i1 to i32
        %cond3A_610 = arith.constant 0 : i32
        %cond3A_611 = arith.cmpi ne, %convert_element_type3A_609, %cond3A_610 : i32
        scf.if %cond3A_611 {
          %add3A_760 = arith.constant 5 : i32
          %add3A_761 = arith.addi %add3A_566, %add3A_760 : i32
          %dma_start3A_762 = arith.constant 1 : i32
          %dma_start3A_763 = arith.constant 1 : i32
          %dma_start3A_764 = arith.constant 0 : i32
          %dma_start3A_765 = arith.constant 0 : i32
          %dma_start3A_766 = tpu.memref_slice %arg11[%dma_start3A_762, %dma_start3A_764, %dma_start3A_765] : memref<10x128x8xf32, #tpu.memory_space<vmem>> -> memref<1x128x8xf32, #tpu.memory_space<vmem>>
          %dma_start3A_767 = tpu.memref_squeeze %dma_start3A_766 : memref<1x128x8xf32, #tpu.memory_space<vmem>> -> memref<128x8xf32, #tpu.memory_space<vmem>>
          %dma_start3A_768 = arith.constant 0 : i32
          %dma_start3A_769 = tpu.memref_slice %arg9[%add3A_761, %dma_start3A_768] : memref<160x128xi32, #tpu.memory_space<vmem>> -> memref<1x128xi32, #tpu.memory_space<vmem>>
          %dma_start3A_770 = tpu.memref_squeeze %dma_start3A_769 : memref<1x128xi32, #tpu.memory_space<vmem>> -> memref<128xi32, #tpu.memory_space<vmem>>
          %dma_start3A_771 = arith.constant 0 : i32
          %dma_start3A_772 = arith.constant 0 : i32
          %dma_start3A_773 = tpu.memref_slice %arg21[%dma_start3A_771, %dma_start3A_772] : memref<10240x8xf32, #tpu.memory_space<vmem_shared>> -> memref<10240x8xf32, #tpu.memory_space<vmem_shared>>
          %dma_start3A_774 = tpu.memref_slice %arg22[%dma_start3A_763] : memref<10x!tpu.dma_semaphore, #tpu.memory_space<semaphore_mem>> -> memref<1x!tpu.dma_semaphore, #tpu.memory_space<semaphore_mem>>
          %dma_start3A_775 = tpu.memref_squeeze %dma_start3A_774 : memref<1x!tpu.dma_semaphore, #tpu.memory_space<semaphore_mem>> -> memref<!tpu.dma_semaphore, #tpu.memory_space<semaphore_mem>>
          tpu.enqueue_indirect_dma source(%dma_start3A_773 : memref<10240x8xf32, #tpu.memory_space<vmem_shared>>) target(%dma_start3A_767 : memref<128x8xf32, #tpu.memory_space<vmem>>) offsets(%dma_start3A_770 : memref<128xi32, #tpu.memory_space<vmem>>) semaphore(%dma_start3A_775 : memref<!tpu.dma_semaphore, #tpu.memory_space<semaphore_mem>>)
        } else {
        }
        %mul3A_612 = arith.constant 10 : i32
        %mul3A_613 = arith.muli %scan3A_273, %mul3A_612 : i32
        %add3A_614 = arith.constant 7 : i32
        %add3A_615 = arith.addi %mul3A_613, %add3A_614 : i32
        %dma_wait3A_616 = arith.constant 7 : i32
        %dma_wait3A_617 = arith.constant 7 : i32
        %dma_wait3A_618 = arith.constant 0 : i32
        %dma_wait3A_619 = arith.constant 0 : i32
        %dma_wait3A_620 = tpu.memref_slice %arg11[%dma_wait3A_616, %dma_wait3A_618, %dma_wait3A_619] : memref<10x128x8xf32, #tpu.memory_space<vmem>> -> memref<1x128x8xf32, #tpu.memory_space<vmem>>
        %dma_wait3A_621 = tpu.memref_squeeze %dma_wait3A_620 : memref<1x128x8xf32, #tpu.memory_space<vmem>> -> memref<128x8xf32, #tpu.memory_space<vmem>>
        %dma_wait3A_622 = arith.constant 0 : i32
        %dma_wait3A_623 = tpu.memref_slice %arg9[%add3A_615, %dma_wait3A_622] : memref<160x128xi32, #tpu.memory_space<vmem>> -> memref<1x128xi32, #tpu.memory_space<vmem>>
        %dma_wait3A_624 = tpu.memref_squeeze %dma_wait3A_623 : memref<1x128xi32, #tpu.memory_space<vmem>> -> memref<128xi32, #tpu.memory_space<vmem>>
        %dma_wait3A_625 = arith.constant 0 : i32
        %dma_wait3A_626 = arith.constant 0 : i32
        %dma_wait3A_627 = tpu.memref_slice %arg21[%dma_wait3A_625, %dma_wait3A_626] : memref<10240x8xf32, #tpu.memory_space<vmem_shared>> -> memref<10240x8xf32, #tpu.memory_space<vmem_shared>>
        %dma_wait3A_628 = tpu.memref_slice %arg22[%dma_wait3A_617] : memref<10x!tpu.dma_semaphore, #tpu.memory_space<semaphore_mem>> -> memref<1x!tpu.dma_semaphore, #tpu.memory_space<semaphore_mem>>
        %dma_wait3A_629 = tpu.memref_squeeze %dma_wait3A_628 : memref<1x!tpu.dma_semaphore, #tpu.memory_space<semaphore_mem>> -> memref<!tpu.dma_semaphore, #tpu.memory_space<semaphore_mem>>
        tpu.wait_indirect_dma semaphore(%dma_wait3A_629 : memref<!tpu.dma_semaphore, #tpu.memory_space<semaphore_mem>>) src(%dma_wait3A_627 : memref<10240x8xf32, #tpu.memory_space<vmem_shared>>) dst(%dma_wait3A_621 : memref<128x8xf32, #tpu.memory_space<vmem>>)
        %dma_start3A_630 = arith.constant 7 : i32
        %dma_start3A_631 = arith.constant 7 : i32
        %dma_start3A_632 = arith.constant 0 : i32
        %dma_start3A_633 = arith.constant 0 : i32
        %dma_start3A_634 = tpu.memref_slice %arg11[%dma_start3A_630, %dma_start3A_632, %dma_start3A_633] : memref<10x128x8xf32, #tpu.memory_space<vmem>> -> memref<1x128x8xf32, #tpu.memory_space<vmem>>
        %dma_start3A_635 = tpu.memref_squeeze %dma_start3A_634 : memref<1x128x8xf32, #tpu.memory_space<vmem>> -> memref<128x8xf32, #tpu.memory_space<vmem>>
        %dma_start3A_636 = arith.constant 0 : i32
        %dma_start3A_637 = tpu.memref_slice %arg10[%add3A_615, %dma_start3A_636] : memref<160x128xi32, #tpu.memory_space<vmem>> -> memref<1x128xi32, #tpu.memory_space<vmem>>
        %dma_start3A_638 = tpu.memref_squeeze %dma_start3A_637 : memref<1x128xi32, #tpu.memory_space<vmem>> -> memref<128xi32, #tpu.memory_space<vmem>>
        %dma_start3A_639 = arith.constant 0 : i32
        %dma_start3A_640 = arith.constant 0 : i32
        %dma_start3A_641 = tpu.memref_slice %arg20[%dma_start3A_639, %dma_start3A_640] : memref<10240x8xf32, #tpu.memory_space<vmem_shared>> -> memref<10240x8xf32, #tpu.memory_space<vmem_shared>>
        %dma_start3A_642 = tpu.memref_slice %arg23[%dma_start3A_631] : memref<10x!tpu.dma_semaphore, #tpu.memory_space<semaphore_mem>> -> memref<1x!tpu.dma_semaphore, #tpu.memory_space<semaphore_mem>>
        %dma_start3A_643 = tpu.memref_squeeze %dma_start3A_642 : memref<1x!tpu.dma_semaphore, #tpu.memory_space<semaphore_mem>> -> memref<!tpu.dma_semaphore, #tpu.memory_space<semaphore_mem>>
        tpu.enqueue_indirect_dma source(%dma_start3A_635 : memref<128x8xf32, #tpu.memory_space<vmem>>) target(%dma_start3A_641 : memref<10240x8xf32, #tpu.memory_space<vmem_shared>>) offsets(%dma_start3A_638 : memref<128xi32, #tpu.memory_space<vmem>>) semaphore(%dma_start3A_643 : memref<!tpu.dma_semaphore, #tpu.memory_space<semaphore_mem>>) {add = true}
        %ge3A_644 = arith.constant 5 : i32
        %ge3A_645 = arith.cmpi sge, %add3A_615, %ge3A_644 : i32
        %add3A_646 = arith.constant 5 : i32
        %add3A_647 = arith.addi %add3A_615, %add3A_646 : i32
        %lt3A_648 = arith.constant 160 : i32
        %lt3A_649 = arith.cmpi slt, %add3A_647, %lt3A_648 : i32
        %and3A_650 = arith.andi %ge3A_645, %lt3A_649 : i1
        %convert_element_type3A_651 = arith.extui %and3A_650 : i1 to i32
        %cond3A_652 = arith.constant 0 : i32
        %cond3A_653 = arith.cmpi ne, %convert_element_type3A_651, %cond3A_652 : i32
        scf.if %cond3A_653 {
          %dma_wait3A_760 = arith.constant 2 : i32
          %dma_wait3A_761 = arith.constant 0 : i32
          %dma_wait3A_762 = arith.constant 2 : i32
          %dma_wait3A_763 = arith.constant 0 : i32
          %dma_wait3A_764 = arith.constant 0 : i32
          %dma_wait3A_765 = tpu.memref_slice %arg11[%dma_wait3A_760, %dma_wait3A_763, %dma_wait3A_764] : memref<10x128x8xf32, #tpu.memory_space<vmem>> -> memref<1x128x8xf32, #tpu.memory_space<vmem>>
          %dma_wait3A_766 = tpu.memref_squeeze %dma_wait3A_765 : memref<1x128x8xf32, #tpu.memory_space<vmem>> -> memref<128x8xf32, #tpu.memory_space<vmem>>
          %dma_wait3A_767 = arith.constant 0 : i32
          %dma_wait3A_768 = tpu.memref_slice %arg10[%dma_wait3A_761, %dma_wait3A_767] : memref<160x128xi32, #tpu.memory_space<vmem>> -> memref<1x128xi32, #tpu.memory_space<vmem>>
          %dma_wait3A_769 = tpu.memref_squeeze %dma_wait3A_768 : memref<1x128xi32, #tpu.memory_space<vmem>> -> memref<128xi32, #tpu.memory_space<vmem>>
          %dma_wait3A_770 = arith.constant 0 : i32
          %dma_wait3A_771 = arith.constant 0 : i32
          %dma_wait3A_772 = tpu.memref_slice %arg20[%dma_wait3A_770, %dma_wait3A_771] : memref<10240x8xf32, #tpu.memory_space<vmem_shared>> -> memref<10240x8xf32, #tpu.memory_space<vmem_shared>>
          %dma_wait3A_773 = tpu.memref_slice %arg23[%dma_wait3A_762] : memref<10x!tpu.dma_semaphore, #tpu.memory_space<semaphore_mem>> -> memref<1x!tpu.dma_semaphore, #tpu.memory_space<semaphore_mem>>
          %dma_wait3A_774 = tpu.memref_squeeze %dma_wait3A_773 : memref<1x!tpu.dma_semaphore, #tpu.memory_space<semaphore_mem>> -> memref<!tpu.dma_semaphore, #tpu.memory_space<semaphore_mem>>
          tpu.wait_indirect_dma semaphore(%dma_wait3A_774 : memref<!tpu.dma_semaphore, #tpu.memory_space<semaphore_mem>>) src(%dma_wait3A_766 : memref<128x8xf32, #tpu.memory_space<vmem>>) dst(%dma_wait3A_772 : memref<10240x8xf32, #tpu.memory_space<vmem_shared>>)
        } else {
        }
        %add3A_654 = arith.constant 5 : i32
        %add3A_655 = arith.addi %add3A_615, %add3A_654 : i32
        %lt3A_656 = arith.constant 160 : i32
        %lt3A_657 = arith.cmpi slt, %add3A_655, %lt3A_656 : i32
        %convert_element_type3A_658 = arith.extui %lt3A_657 : i1 to i32
        %cond3A_659 = arith.constant 0 : i32
        %cond3A_660 = arith.cmpi ne, %convert_element_type3A_658, %cond3A_659 : i32
        scf.if %cond3A_660 {
          %add3A_760 = arith.constant 5 : i32
          %add3A_761 = arith.addi %add3A_615, %add3A_760 : i32
          %dma_start3A_762 = arith.constant 2 : i32
          %dma_start3A_763 = arith.constant 2 : i32
          %dma_start3A_764 = arith.constant 0 : i32
          %dma_start3A_765 = arith.constant 0 : i32
          %dma_start3A_766 = tpu.memref_slice %arg11[%dma_start3A_762, %dma_start3A_764, %dma_start3A_765] : memref<10x128x8xf32, #tpu.memory_space<vmem>> -> memref<1x128x8xf32, #tpu.memory_space<vmem>>
          %dma_start3A_767 = tpu.memref_squeeze %dma_start3A_766 : memref<1x128x8xf32, #tpu.memory_space<vmem>> -> memref<128x8xf32, #tpu.memory_space<vmem>>
          %dma_start3A_768 = arith.constant 0 : i32
          %dma_start3A_769 = tpu.memref_slice %arg9[%add3A_761, %dma_start3A_768] : memref<160x128xi32, #tpu.memory_space<vmem>> -> memref<1x128xi32, #tpu.memory_space<vmem>>
          %dma_start3A_770 = tpu.memref_squeeze %dma_start3A_769 : memref<1x128xi32, #tpu.memory_space<vmem>> -> memref<128xi32, #tpu.memory_space<vmem>>
          %dma_start3A_771 = arith.constant 0 : i32
          %dma_start3A_772 = arith.constant 0 : i32
          %dma_start3A_773 = tpu.memref_slice %arg21[%dma_start3A_771, %dma_start3A_772] : memref<10240x8xf32, #tpu.memory_space<vmem_shared>> -> memref<10240x8xf32, #tpu.memory_space<vmem_shared>>
          %dma_start3A_774 = tpu.memref_slice %arg22[%dma_start3A_763] : memref<10x!tpu.dma_semaphore, #tpu.memory_space<semaphore_mem>> -> memref<1x!tpu.dma_semaphore, #tpu.memory_space<semaphore_mem>>
          %dma_start3A_775 = tpu.memref_squeeze %dma_start3A_774 : memref<1x!tpu.dma_semaphore, #tpu.memory_space<semaphore_mem>> -> memref<!tpu.dma_semaphore, #tpu.memory_space<semaphore_mem>>
          tpu.enqueue_indirect_dma source(%dma_start3A_773 : memref<10240x8xf32, #tpu.memory_space<vmem_shared>>) target(%dma_start3A_767 : memref<128x8xf32, #tpu.memory_space<vmem>>) offsets(%dma_start3A_770 : memref<128xi32, #tpu.memory_space<vmem>>) semaphore(%dma_start3A_775 : memref<!tpu.dma_semaphore, #tpu.memory_space<semaphore_mem>>)
        } else {
        }
        %mul3A_661 = arith.constant 10 : i32
        %mul3A_662 = arith.muli %scan3A_273, %mul3A_661 : i32
        %add3A_663 = arith.constant 8 : i32
        %add3A_664 = arith.addi %mul3A_662, %add3A_663 : i32
        %dma_wait3A_665 = arith.constant 8 : i32
        %dma_wait3A_666 = arith.constant 8 : i32
        %dma_wait3A_667 = arith.constant 0 : i32
        %dma_wait3A_668 = arith.constant 0 : i32
        %dma_wait3A_669 = tpu.memref_slice %arg11[%dma_wait3A_665, %dma_wait3A_667, %dma_wait3A_668] : memref<10x128x8xf32, #tpu.memory_space<vmem>> -> memref<1x128x8xf32, #tpu.memory_space<vmem>>
        %dma_wait3A_670 = tpu.memref_squeeze %dma_wait3A_669 : memref<1x128x8xf32, #tpu.memory_space<vmem>> -> memref<128x8xf32, #tpu.memory_space<vmem>>
        %dma_wait3A_671 = arith.constant 0 : i32
        %dma_wait3A_672 = tpu.memref_slice %arg9[%add3A_664, %dma_wait3A_671] : memref<160x128xi32, #tpu.memory_space<vmem>> -> memref<1x128xi32, #tpu.memory_space<vmem>>
        %dma_wait3A_673 = tpu.memref_squeeze %dma_wait3A_672 : memref<1x128xi32, #tpu.memory_space<vmem>> -> memref<128xi32, #tpu.memory_space<vmem>>
        %dma_wait3A_674 = arith.constant 0 : i32
        %dma_wait3A_675 = arith.constant 0 : i32
        %dma_wait3A_676 = tpu.memref_slice %arg21[%dma_wait3A_674, %dma_wait3A_675] : memref<10240x8xf32, #tpu.memory_space<vmem_shared>> -> memref<10240x8xf32, #tpu.memory_space<vmem_shared>>
        %dma_wait3A_677 = tpu.memref_slice %arg22[%dma_wait3A_666] : memref<10x!tpu.dma_semaphore, #tpu.memory_space<semaphore_mem>> -> memref<1x!tpu.dma_semaphore, #tpu.memory_space<semaphore_mem>>
        %dma_wait3A_678 = tpu.memref_squeeze %dma_wait3A_677 : memref<1x!tpu.dma_semaphore, #tpu.memory_space<semaphore_mem>> -> memref<!tpu.dma_semaphore, #tpu.memory_space<semaphore_mem>>
        tpu.wait_indirect_dma semaphore(%dma_wait3A_678 : memref<!tpu.dma_semaphore, #tpu.memory_space<semaphore_mem>>) src(%dma_wait3A_676 : memref<10240x8xf32, #tpu.memory_space<vmem_shared>>) dst(%dma_wait3A_670 : memref<128x8xf32, #tpu.memory_space<vmem>>)
        %dma_start3A_679 = arith.constant 8 : i32
        %dma_start3A_680 = arith.constant 8 : i32
        %dma_start3A_681 = arith.constant 0 : i32
        %dma_start3A_682 = arith.constant 0 : i32
        %dma_start3A_683 = tpu.memref_slice %arg11[%dma_start3A_679, %dma_start3A_681, %dma_start3A_682] : memref<10x128x8xf32, #tpu.memory_space<vmem>> -> memref<1x128x8xf32, #tpu.memory_space<vmem>>
        %dma_start3A_684 = tpu.memref_squeeze %dma_start3A_683 : memref<1x128x8xf32, #tpu.memory_space<vmem>> -> memref<128x8xf32, #tpu.memory_space<vmem>>
        %dma_start3A_685 = arith.constant 0 : i32
        %dma_start3A_686 = tpu.memref_slice %arg10[%add3A_664, %dma_start3A_685] : memref<160x128xi32, #tpu.memory_space<vmem>> -> memref<1x128xi32, #tpu.memory_space<vmem>>
        %dma_start3A_687 = tpu.memref_squeeze %dma_start3A_686 : memref<1x128xi32, #tpu.memory_space<vmem>> -> memref<128xi32, #tpu.memory_space<vmem>>
        %dma_start3A_688 = arith.constant 0 : i32
        %dma_start3A_689 = arith.constant 0 : i32
        %dma_start3A_690 = tpu.memref_slice %arg20[%dma_start3A_688, %dma_start3A_689] : memref<10240x8xf32, #tpu.memory_space<vmem_shared>> -> memref<10240x8xf32, #tpu.memory_space<vmem_shared>>
        %dma_start3A_691 = tpu.memref_slice %arg23[%dma_start3A_680] : memref<10x!tpu.dma_semaphore, #tpu.memory_space<semaphore_mem>> -> memref<1x!tpu.dma_semaphore, #tpu.memory_space<semaphore_mem>>
        %dma_start3A_692 = tpu.memref_squeeze %dma_start3A_691 : memref<1x!tpu.dma_semaphore, #tpu.memory_space<semaphore_mem>> -> memref<!tpu.dma_semaphore, #tpu.memory_space<semaphore_mem>>
        tpu.enqueue_indirect_dma source(%dma_start3A_684 : memref<128x8xf32, #tpu.memory_space<vmem>>) target(%dma_start3A_690 : memref<10240x8xf32, #tpu.memory_space<vmem_shared>>) offsets(%dma_start3A_687 : memref<128xi32, #tpu.memory_space<vmem>>) semaphore(%dma_start3A_692 : memref<!tpu.dma_semaphore, #tpu.memory_space<semaphore_mem>>) {add = true}
        %ge3A_693 = arith.constant 5 : i32
        %ge3A_694 = arith.cmpi sge, %add3A_664, %ge3A_693 : i32
        %add3A_695 = arith.constant 5 : i32
        %add3A_696 = arith.addi %add3A_664, %add3A_695 : i32
        %lt3A_697 = arith.constant 160 : i32
        %lt3A_698 = arith.cmpi slt, %add3A_696, %lt3A_697 : i32
        %and3A_699 = arith.andi %ge3A_694, %lt3A_698 : i1
        %convert_element_type3A_700 = arith.extui %and3A_699 : i1 to i32
        %cond3A_701 = arith.constant 0 : i32
        %cond3A_702 = arith.cmpi ne, %convert_element_type3A_700, %cond3A_701 : i32
        scf.if %cond3A_702 {
          %dma_wait3A_760 = arith.constant 3 : i32
          %dma_wait3A_761 = arith.constant 0 : i32
          %dma_wait3A_762 = arith.constant 3 : i32
          %dma_wait3A_763 = arith.constant 0 : i32
          %dma_wait3A_764 = arith.constant 0 : i32
          %dma_wait3A_765 = tpu.memref_slice %arg11[%dma_wait3A_760, %dma_wait3A_763, %dma_wait3A_764] : memref<10x128x8xf32, #tpu.memory_space<vmem>> -> memref<1x128x8xf32, #tpu.memory_space<vmem>>
          %dma_wait3A_766 = tpu.memref_squeeze %dma_wait3A_765 : memref<1x128x8xf32, #tpu.memory_space<vmem>> -> memref<128x8xf32, #tpu.memory_space<vmem>>
          %dma_wait3A_767 = arith.constant 0 : i32
          %dma_wait3A_768 = tpu.memref_slice %arg10[%dma_wait3A_761, %dma_wait3A_767] : memref<160x128xi32, #tpu.memory_space<vmem>> -> memref<1x128xi32, #tpu.memory_space<vmem>>
          %dma_wait3A_769 = tpu.memref_squeeze %dma_wait3A_768 : memref<1x128xi32, #tpu.memory_space<vmem>> -> memref<128xi32, #tpu.memory_space<vmem>>
          %dma_wait3A_770 = arith.constant 0 : i32
          %dma_wait3A_771 = arith.constant 0 : i32
          %dma_wait3A_772 = tpu.memref_slice %arg20[%dma_wait3A_770, %dma_wait3A_771] : memref<10240x8xf32, #tpu.memory_space<vmem_shared>> -> memref<10240x8xf32, #tpu.memory_space<vmem_shared>>
          %dma_wait3A_773 = tpu.memref_slice %arg23[%dma_wait3A_762] : memref<10x!tpu.dma_semaphore, #tpu.memory_space<semaphore_mem>> -> memref<1x!tpu.dma_semaphore, #tpu.memory_space<semaphore_mem>>
          %dma_wait3A_774 = tpu.memref_squeeze %dma_wait3A_773 : memref<1x!tpu.dma_semaphore, #tpu.memory_space<semaphore_mem>> -> memref<!tpu.dma_semaphore, #tpu.memory_space<semaphore_mem>>
          tpu.wait_indirect_dma semaphore(%dma_wait3A_774 : memref<!tpu.dma_semaphore, #tpu.memory_space<semaphore_mem>>) src(%dma_wait3A_766 : memref<128x8xf32, #tpu.memory_space<vmem>>) dst(%dma_wait3A_772 : memref<10240x8xf32, #tpu.memory_space<vmem_shared>>)
        } else {
        }
        %add3A_703 = arith.constant 5 : i32
        %add3A_704 = arith.addi %add3A_664, %add3A_703 : i32
        %lt3A_705 = arith.constant 160 : i32
        %lt3A_706 = arith.cmpi slt, %add3A_704, %lt3A_705 : i32
        %convert_element_type3A_707 = arith.extui %lt3A_706 : i1 to i32
        %cond3A_708 = arith.constant 0 : i32
        %cond3A_709 = arith.cmpi ne, %convert_element_type3A_707, %cond3A_708 : i32
        scf.if %cond3A_709 {
          %add3A_760 = arith.constant 5 : i32
          %add3A_761 = arith.addi %add3A_664, %add3A_760 : i32
          %dma_start3A_762 = arith.constant 3 : i32
          %dma_start3A_763 = arith.constant 3 : i32
          %dma_start3A_764 = arith.constant 0 : i32
          %dma_start3A_765 = arith.constant 0 : i32
          %dma_start3A_766 = tpu.memref_slice %arg11[%dma_start3A_762, %dma_start3A_764, %dma_start3A_765] : memref<10x128x8xf32, #tpu.memory_space<vmem>> -> memref<1x128x8xf32, #tpu.memory_space<vmem>>
          %dma_start3A_767 = tpu.memref_squeeze %dma_start3A_766 : memref<1x128x8xf32, #tpu.memory_space<vmem>> -> memref<128x8xf32, #tpu.memory_space<vmem>>
          %dma_start3A_768 = arith.constant 0 : i32
          %dma_start3A_769 = tpu.memref_slice %arg9[%add3A_761, %dma_start3A_768] : memref<160x128xi32, #tpu.memory_space<vmem>> -> memref<1x128xi32, #tpu.memory_space<vmem>>
          %dma_start3A_770 = tpu.memref_squeeze %dma_start3A_769 : memref<1x128xi32, #tpu.memory_space<vmem>> -> memref<128xi32, #tpu.memory_space<vmem>>
          %dma_start3A_771 = arith.constant 0 : i32
          %dma_start3A_772 = arith.constant 0 : i32
          %dma_start3A_773 = tpu.memref_slice %arg21[%dma_start3A_771, %dma_start3A_772] : memref<10240x8xf32, #tpu.memory_space<vmem_shared>> -> memref<10240x8xf32, #tpu.memory_space<vmem_shared>>
          %dma_start3A_774 = tpu.memref_slice %arg22[%dma_start3A_763] : memref<10x!tpu.dma_semaphore, #tpu.memory_space<semaphore_mem>> -> memref<1x!tpu.dma_semaphore, #tpu.memory_space<semaphore_mem>>
          %dma_start3A_775 = tpu.memref_squeeze %dma_start3A_774 : memref<1x!tpu.dma_semaphore, #tpu.memory_space<semaphore_mem>> -> memref<!tpu.dma_semaphore, #tpu.memory_space<semaphore_mem>>
          tpu.enqueue_indirect_dma source(%dma_start3A_773 : memref<10240x8xf32, #tpu.memory_space<vmem_shared>>) target(%dma_start3A_767 : memref<128x8xf32, #tpu.memory_space<vmem>>) offsets(%dma_start3A_770 : memref<128xi32, #tpu.memory_space<vmem>>) semaphore(%dma_start3A_775 : memref<!tpu.dma_semaphore, #tpu.memory_space<semaphore_mem>>)
        } else {
        }
        %mul3A_710 = arith.constant 10 : i32
        %mul3A_711 = arith.muli %scan3A_273, %mul3A_710 : i32
        %add3A_712 = arith.constant 9 : i32
        %add3A_713 = arith.addi %mul3A_711, %add3A_712 : i32
        %dma_wait3A_714 = arith.constant 9 : i32
        %dma_wait3A_715 = arith.constant 9 : i32
        %dma_wait3A_716 = arith.constant 0 : i32
        %dma_wait3A_717 = arith.constant 0 : i32
        %dma_wait3A_718 = tpu.memref_slice %arg11[%dma_wait3A_714, %dma_wait3A_716, %dma_wait3A_717] : memref<10x128x8xf32, #tpu.memory_space<vmem>> -> memref<1x128x8xf32, #tpu.memory_space<vmem>>
        %dma_wait3A_719 = tpu.memref_squeeze %dma_wait3A_718 : memref<1x128x8xf32, #tpu.memory_space<vmem>> -> memref<128x8xf32, #tpu.memory_space<vmem>>
        %dma_wait3A_720 = arith.constant 0 : i32
        %dma_wait3A_721 = tpu.memref_slice %arg9[%add3A_713, %dma_wait3A_720] : memref<160x128xi32, #tpu.memory_space<vmem>> -> memref<1x128xi32, #tpu.memory_space<vmem>>
        %dma_wait3A_722 = tpu.memref_squeeze %dma_wait3A_721 : memref<1x128xi32, #tpu.memory_space<vmem>> -> memref<128xi32, #tpu.memory_space<vmem>>
        %dma_wait3A_723 = arith.constant 0 : i32
        %dma_wait3A_724 = arith.constant 0 : i32
        %dma_wait3A_725 = tpu.memref_slice %arg21[%dma_wait3A_723, %dma_wait3A_724] : memref<10240x8xf32, #tpu.memory_space<vmem_shared>> -> memref<10240x8xf32, #tpu.memory_space<vmem_shared>>
        %dma_wait3A_726 = tpu.memref_slice %arg22[%dma_wait3A_715] : memref<10x!tpu.dma_semaphore, #tpu.memory_space<semaphore_mem>> -> memref<1x!tpu.dma_semaphore, #tpu.memory_space<semaphore_mem>>
        %dma_wait3A_727 = tpu.memref_squeeze %dma_wait3A_726 : memref<1x!tpu.dma_semaphore, #tpu.memory_space<semaphore_mem>> -> memref<!tpu.dma_semaphore, #tpu.memory_space<semaphore_mem>>
        tpu.wait_indirect_dma semaphore(%dma_wait3A_727 : memref<!tpu.dma_semaphore, #tpu.memory_space<semaphore_mem>>) src(%dma_wait3A_725 : memref<10240x8xf32, #tpu.memory_space<vmem_shared>>) dst(%dma_wait3A_719 : memref<128x8xf32, #tpu.memory_space<vmem>>)
        %dma_start3A_728 = arith.constant 9 : i32
        %dma_start3A_729 = arith.constant 9 : i32
        %dma_start3A_730 = arith.constant 0 : i32
        %dma_start3A_731 = arith.constant 0 : i32
        %dma_start3A_732 = tpu.memref_slice %arg11[%dma_start3A_728, %dma_start3A_730, %dma_start3A_731] : memref<10x128x8xf32, #tpu.memory_space<vmem>> -> memref<1x128x8xf32, #tpu.memory_space<vmem>>
        %dma_start3A_733 = tpu.memref_squeeze %dma_start3A_732 : memref<1x128x8xf32, #tpu.memory_space<vmem>> -> memref<128x8xf32, #tpu.memory_space<vmem>>
        %dma_start3A_734 = arith.constant 0 : i32
        %dma_start3A_735 = tpu.memref_slice %arg10[%add3A_713, %dma_start3A_734] : memref<160x128xi32, #tpu.memory_space<vmem>> -> memref<1x128xi32, #tpu.memory_space<vmem>>
        %dma_start3A_736 = tpu.memref_squeeze %dma_start3A_735 : memref<1x128xi32, #tpu.memory_space<vmem>> -> memref<128xi32, #tpu.memory_space<vmem>>
        %dma_start3A_737 = arith.constant 0 : i32
        %dma_start3A_738 = arith.constant 0 : i32
        %dma_start3A_739 = tpu.memref_slice %arg20[%dma_start3A_737, %dma_start3A_738] : memref<10240x8xf32, #tpu.memory_space<vmem_shared>> -> memref<10240x8xf32, #tpu.memory_space<vmem_shared>>
        %dma_start3A_740 = tpu.memref_slice %arg23[%dma_start3A_729] : memref<10x!tpu.dma_semaphore, #tpu.memory_space<semaphore_mem>> -> memref<1x!tpu.dma_semaphore, #tpu.memory_space<semaphore_mem>>
        %dma_start3A_741 = tpu.memref_squeeze %dma_start3A_740 : memref<1x!tpu.dma_semaphore, #tpu.memory_space<semaphore_mem>> -> memref<!tpu.dma_semaphore, #tpu.memory_space<semaphore_mem>>
        tpu.enqueue_indirect_dma source(%dma_start3A_733 : memref<128x8xf32, #tpu.memory_space<vmem>>) target(%dma_start3A_739 : memref<10240x8xf32, #tpu.memory_space<vmem_shared>>) offsets(%dma_start3A_736 : memref<128xi32, #tpu.memory_space<vmem>>) semaphore(%dma_start3A_741 : memref<!tpu.dma_semaphore, #tpu.memory_space<semaphore_mem>>) {add = true}
        %ge3A_742 = arith.constant 5 : i32
        %ge3A_743 = arith.cmpi sge, %add3A_713, %ge3A_742 : i32
        %add3A_744 = arith.constant 5 : i32
        %add3A_745 = arith.addi %add3A_713, %add3A_744 : i32
        %lt3A_746 = arith.constant 160 : i32
        %lt3A_747 = arith.cmpi slt, %add3A_745, %lt3A_746 : i32
        %and3A_748 = arith.andi %ge3A_743, %lt3A_747 : i1
        %convert_element_type3A_749 = arith.extui %and3A_748 : i1 to i32
        %cond3A_750 = arith.constant 0 : i32
        %cond3A_751 = arith.cmpi ne, %convert_element_type3A_749, %cond3A_750 : i32
        scf.if %cond3A_751 {
          %dma_wait3A_760 = arith.constant 4 : i32
          %dma_wait3A_761 = arith.constant 0 : i32
          %dma_wait3A_762 = arith.constant 4 : i32
          %dma_wait3A_763 = arith.constant 0 : i32
          %dma_wait3A_764 = arith.constant 0 : i32
          %dma_wait3A_765 = tpu.memref_slice %arg11[%dma_wait3A_760, %dma_wait3A_763, %dma_wait3A_764] : memref<10x128x8xf32, #tpu.memory_space<vmem>> -> memref<1x128x8xf32, #tpu.memory_space<vmem>>
          %dma_wait3A_766 = tpu.memref_squeeze %dma_wait3A_765 : memref<1x128x8xf32, #tpu.memory_space<vmem>> -> memref<128x8xf32, #tpu.memory_space<vmem>>
          %dma_wait3A_767 = arith.constant 0 : i32
          %dma_wait3A_768 = tpu.memref_slice %arg10[%dma_wait3A_761, %dma_wait3A_767] : memref<160x128xi32, #tpu.memory_space<vmem>> -> memref<1x128xi32, #tpu.memory_space<vmem>>
          %dma_wait3A_769 = tpu.memref_squeeze %dma_wait3A_768 : memref<1x128xi32, #tpu.memory_space<vmem>> -> memref<128xi32, #tpu.memory_space<vmem>>
          %dma_wait3A_770 = arith.constant 0 : i32
          %dma_wait3A_771 = arith.constant 0 : i32
          %dma_wait3A_772 = tpu.memref_slice %arg20[%dma_wait3A_770, %dma_wait3A_771] : memref<10240x8xf32, #tpu.memory_space<vmem_shared>> -> memref<10240x8xf32, #tpu.memory_space<vmem_shared>>
          %dma_wait3A_773 = tpu.memref_slice %arg23[%dma_wait3A_762] : memref<10x!tpu.dma_semaphore, #tpu.memory_space<semaphore_mem>> -> memref<1x!tpu.dma_semaphore, #tpu.memory_space<semaphore_mem>>
          %dma_wait3A_774 = tpu.memref_squeeze %dma_wait3A_773 : memref<1x!tpu.dma_semaphore, #tpu.memory_space<semaphore_mem>> -> memref<!tpu.dma_semaphore, #tpu.memory_space<semaphore_mem>>
          tpu.wait_indirect_dma semaphore(%dma_wait3A_774 : memref<!tpu.dma_semaphore, #tpu.memory_space<semaphore_mem>>) src(%dma_wait3A_766 : memref<128x8xf32, #tpu.memory_space<vmem>>) dst(%dma_wait3A_772 : memref<10240x8xf32, #tpu.memory_space<vmem_shared>>)
        } else {
        }
        %add3A_752 = arith.constant 5 : i32
        %add3A_753 = arith.addi %add3A_713, %add3A_752 : i32
        %lt3A_754 = arith.constant 160 : i32
        %lt3A_755 = arith.cmpi slt, %add3A_753, %lt3A_754 : i32
        %convert_element_type3A_756 = arith.extui %lt3A_755 : i1 to i32
        %cond3A_757 = arith.constant 0 : i32
        %cond3A_758 = arith.cmpi ne, %convert_element_type3A_756, %cond3A_757 : i32
        scf.if %cond3A_758 {
          %add3A_760 = arith.constant 5 : i32
          %add3A_761 = arith.addi %add3A_713, %add3A_760 : i32
          %dma_start3A_762 = arith.constant 4 : i32
          %dma_start3A_763 = arith.constant 4 : i32
          %dma_start3A_764 = arith.constant 0 : i32
          %dma_start3A_765 = arith.constant 0 : i32
          %dma_start3A_766 = tpu.memref_slice %arg11[%dma_start3A_762, %dma_start3A_764, %dma_start3A_765] : memref<10x128x8xf32, #tpu.memory_space<vmem>> -> memref<1x128x8xf32, #tpu.memory_space<vmem>>
          %dma_start3A_767 = tpu.memref_squeeze %dma_start3A_766 : memref<1x128x8xf32, #tpu.memory_space<vmem>> -> memref<128x8xf32, #tpu.memory_space<vmem>>
          %dma_start3A_768 = arith.constant 0 : i32
          %dma_start3A_769 = tpu.memref_slice %arg9[%add3A_761, %dma_start3A_768] : memref<160x128xi32, #tpu.memory_space<vmem>> -> memref<1x128xi32, #tpu.memory_space<vmem>>
          %dma_start3A_770 = tpu.memref_squeeze %dma_start3A_769 : memref<1x128xi32, #tpu.memory_space<vmem>> -> memref<128xi32, #tpu.memory_space<vmem>>
          %dma_start3A_771 = arith.constant 0 : i32
          %dma_start3A_772 = arith.constant 0 : i32
          %dma_start3A_773 = tpu.memref_slice %arg21[%dma_start3A_771, %dma_start3A_772] : memref<10240x8xf32, #tpu.memory_space<vmem_shared>> -> memref<10240x8xf32, #tpu.memory_space<vmem_shared>>
          %dma_start3A_774 = tpu.memref_slice %arg22[%dma_start3A_763] : memref<10x!tpu.dma_semaphore, #tpu.memory_space<semaphore_mem>> -> memref<1x!tpu.dma_semaphore, #tpu.memory_space<semaphore_mem>>
          %dma_start3A_775 = tpu.memref_squeeze %dma_start3A_774 : memref<1x!tpu.dma_semaphore, #tpu.memory_space<semaphore_mem>> -> memref<!tpu.dma_semaphore, #tpu.memory_space<semaphore_mem>>
          tpu.enqueue_indirect_dma source(%dma_start3A_773 : memref<10240x8xf32, #tpu.memory_space<vmem_shared>>) target(%dma_start3A_767 : memref<128x8xf32, #tpu.memory_space<vmem>>) offsets(%dma_start3A_770 : memref<128xi32, #tpu.memory_space<vmem>>) semaphore(%dma_start3A_775 : memref<!tpu.dma_semaphore, #tpu.memory_space<semaphore_mem>>)
        } else {
        }
        %scan3A_759 = arith.constant 0 : i32
        scf.yield %scan3A_759 : i32
      }
      %scan3A_113 = arith.constant 16 : i32
      %dma_wait3A = arith.constant 0 : i32
      %dma_wait3A_114 = arith.constant 0 : i32
      %dma_wait3A_115 = arith.constant 0 : i32
      %dma_wait3A_116 = arith.constant 0 : i32
      %dma_wait3A_117 = arith.constant 0 : i32
      %dma_wait3A_118 = tpu.memref_slice %arg11[%dma_wait3A, %dma_wait3A_116, %dma_wait3A_117] : memref<10x128x8xf32, #tpu.memory_space<vmem>> -> memref<1x128x8xf32, #tpu.memory_space<vmem>>
      %dma_wait3A_119 = tpu.memref_squeeze %dma_wait3A_118 : memref<1x128x8xf32, #tpu.memory_space<vmem>> -> memref<128x8xf32, #tpu.memory_space<vmem>>
      %dma_wait3A_120 = arith.constant 0 : i32
      %dma_wait3A_121 = tpu.memref_slice %arg10[%dma_wait3A_114, %dma_wait3A_120] : memref<160x128xi32, #tpu.memory_space<vmem>> -> memref<1x128xi32, #tpu.memory_space<vmem>>
      %dma_wait3A_122 = tpu.memref_squeeze %dma_wait3A_121 : memref<1x128xi32, #tpu.memory_space<vmem>> -> memref<128xi32, #tpu.memory_space<vmem>>
      %dma_wait3A_123 = arith.constant 0 : i32
      %dma_wait3A_124 = arith.constant 0 : i32
      %dma_wait3A_125 = tpu.memref_slice %arg20[%dma_wait3A_123, %dma_wait3A_124] : memref<10240x8xf32, #tpu.memory_space<vmem_shared>> -> memref<10240x8xf32, #tpu.memory_space<vmem_shared>>
      %dma_wait3A_126 = tpu.memref_slice %arg23[%dma_wait3A_115] : memref<10x!tpu.dma_semaphore, #tpu.memory_space<semaphore_mem>> -> memref<1x!tpu.dma_semaphore, #tpu.memory_space<semaphore_mem>>
      %dma_wait3A_127 = tpu.memref_squeeze %dma_wait3A_126 : memref<1x!tpu.dma_semaphore, #tpu.memory_space<semaphore_mem>> -> memref<!tpu.dma_semaphore, #tpu.memory_space<semaphore_mem>>
      tpu.wait_indirect_dma semaphore(%dma_wait3A_127 : memref<!tpu.dma_semaphore, #tpu.memory_space<semaphore_mem>>) src(%dma_wait3A_119 : memref<128x8xf32, #tpu.memory_space<vmem>>) dst(%dma_wait3A_125 : memref<10240x8xf32, #tpu.memory_space<vmem_shared>>)
      %dma_wait3A_128 = arith.constant 1 : i32
      %dma_wait3A_129 = arith.constant 0 : i32
      %dma_wait3A_130 = arith.constant 1 : i32
      %dma_wait3A_131 = arith.constant 0 : i32
      %dma_wait3A_132 = arith.constant 0 : i32
      %dma_wait3A_133 = tpu.memref_slice %arg11[%dma_wait3A_128, %dma_wait3A_131, %dma_wait3A_132] : memref<10x128x8xf32, #tpu.memory_space<vmem>> -> memref<1x128x8xf32, #tpu.memory_space<vmem>>
      %dma_wait3A_134 = tpu.memref_squeeze %dma_wait3A_133 : memref<1x128x8xf32, #tpu.memory_space<vmem>> -> memref<128x8xf32, #tpu.memory_space<vmem>>
      %dma_wait3A_135 = arith.constant 0 : i32
      %dma_wait3A_136 = tpu.memref_slice %arg10[%dma_wait3A_129, %dma_wait3A_135] : memref<160x128xi32, #tpu.memory_space<vmem>> -> memref<1x128xi32, #tpu.memory_space<vmem>>
      %dma_wait3A_137 = tpu.memref_squeeze %dma_wait3A_136 : memref<1x128xi32, #tpu.memory_space<vmem>> -> memref<128xi32, #tpu.memory_space<vmem>>
      %dma_wait3A_138 = arith.constant 0 : i32
      %dma_wait3A_139 = arith.constant 0 : i32
      %dma_wait3A_140 = tpu.memref_slice %arg20[%dma_wait3A_138, %dma_wait3A_139] : memref<10240x8xf32, #tpu.memory_space<vmem_shared>> -> memref<10240x8xf32, #tpu.memory_space<vmem_shared>>
      %dma_wait3A_141 = tpu.memref_slice %arg23[%dma_wait3A_130] : memref<10x!tpu.dma_semaphore, #tpu.memory_space<semaphore_mem>> -> memref<1x!tpu.dma_semaphore, #tpu.memory_space<semaphore_mem>>
      %dma_wait3A_142 = tpu.memref_squeeze %dma_wait3A_141 : memref<1x!tpu.dma_semaphore, #tpu.memory_space<semaphore_mem>> -> memref<!tpu.dma_semaphore, #tpu.memory_space<semaphore_mem>>
      tpu.wait_indirect_dma semaphore(%dma_wait3A_142 : memref<!tpu.dma_semaphore, #tpu.memory_space<semaphore_mem>>) src(%dma_wait3A_134 : memref<128x8xf32, #tpu.memory_space<vmem>>) dst(%dma_wait3A_140 : memref<10240x8xf32, #tpu.memory_space<vmem_shared>>)
      %dma_wait3A_143 = arith.constant 2 : i32
      %dma_wait3A_144 = arith.constant 0 : i32
      %dma_wait3A_145 = arith.constant 2 : i32
      %dma_wait3A_146 = arith.constant 0 : i32
      %dma_wait3A_147 = arith.constant 0 : i32
      %dma_wait3A_148 = tpu.memref_slice %arg11[%dma_wait3A_143, %dma_wait3A_146, %dma_wait3A_147] : memref<10x128x8xf32, #tpu.memory_space<vmem>> -> memref<1x128x8xf32, #tpu.memory_space<vmem>>
      %dma_wait3A_149 = tpu.memref_squeeze %dma_wait3A_148 : memref<1x128x8xf32, #tpu.memory_space<vmem>> -> memref<128x8xf32, #tpu.memory_space<vmem>>
      %dma_wait3A_150 = arith.constant 0 : i32
      %dma_wait3A_151 = tpu.memref_slice %arg10[%dma_wait3A_144, %dma_wait3A_150] : memref<160x128xi32, #tpu.memory_space<vmem>> -> memref<1x128xi32, #tpu.memory_space<vmem>>
      %dma_wait3A_152 = tpu.memref_squeeze %dma_wait3A_151 : memref<1x128xi32, #tpu.memory_space<vmem>> -> memref<128xi32, #tpu.memory_space<vmem>>
      %dma_wait3A_153 = arith.constant 0 : i32
      %dma_wait3A_154 = arith.constant 0 : i32
      %dma_wait3A_155 = tpu.memref_slice %arg20[%dma_wait3A_153, %dma_wait3A_154] : memref<10240x8xf32, #tpu.memory_space<vmem_shared>> -> memref<10240x8xf32, #tpu.memory_space<vmem_shared>>
      %dma_wait3A_156 = tpu.memref_slice %arg23[%dma_wait3A_145] : memref<10x!tpu.dma_semaphore, #tpu.memory_space<semaphore_mem>> -> memref<1x!tpu.dma_semaphore, #tpu.memory_space<semaphore_mem>>
      %dma_wait3A_157 = tpu.memref_squeeze %dma_wait3A_156 : memref<1x!tpu.dma_semaphore, #tpu.memory_space<semaphore_mem>> -> memref<!tpu.dma_semaphore, #tpu.memory_space<semaphore_mem>>
      tpu.wait_indirect_dma semaphore(%dma_wait3A_157 : memref<!tpu.dma_semaphore, #tpu.memory_space<semaphore_mem>>) src(%dma_wait3A_149 : memref<128x8xf32, #tpu.memory_space<vmem>>) dst(%dma_wait3A_155 : memref<10240x8xf32, #tpu.memory_space<vmem_shared>>)
      %dma_wait3A_158 = arith.constant 3 : i32
      %dma_wait3A_159 = arith.constant 0 : i32
      %dma_wait3A_160 = arith.constant 3 : i32
      %dma_wait3A_161 = arith.constant 0 : i32
      %dma_wait3A_162 = arith.constant 0 : i32
      %dma_wait3A_163 = tpu.memref_slice %arg11[%dma_wait3A_158, %dma_wait3A_161, %dma_wait3A_162] : memref<10x128x8xf32, #tpu.memory_space<vmem>> -> memref<1x128x8xf32, #tpu.memory_space<vmem>>
      %dma_wait3A_164 = tpu.memref_squeeze %dma_wait3A_163 : memref<1x128x8xf32, #tpu.memory_space<vmem>> -> memref<128x8xf32, #tpu.memory_space<vmem>>
      %dma_wait3A_165 = arith.constant 0 : i32
      %dma_wait3A_166 = tpu.memref_slice %arg10[%dma_wait3A_159, %dma_wait3A_165] : memref<160x128xi32, #tpu.memory_space<vmem>> -> memref<1x128xi32, #tpu.memory_space<vmem>>
      %dma_wait3A_167 = tpu.memref_squeeze %dma_wait3A_166 : memref<1x128xi32, #tpu.memory_space<vmem>> -> memref<128xi32, #tpu.memory_space<vmem>>
      %dma_wait3A_168 = arith.constant 0 : i32
      %dma_wait3A_169 = arith.constant 0 : i32
      %dma_wait3A_170 = tpu.memref_slice %arg20[%dma_wait3A_168, %dma_wait3A_169] : memref<10240x8xf32, #tpu.memory_space<vmem_shared>> -> memref<10240x8xf32, #tpu.memory_space<vmem_shared>>
      %dma_wait3A_171 = tpu.memref_slice %arg23[%dma_wait3A_160] : memref<10x!tpu.dma_semaphore, #tpu.memory_space<semaphore_mem>> -> memref<1x!tpu.dma_semaphore, #tpu.memory_space<semaphore_mem>>
      %dma_wait3A_172 = tpu.memref_squeeze %dma_wait3A_171 : memref<1x!tpu.dma_semaphore, #tpu.memory_space<semaphore_mem>> -> memref<!tpu.dma_semaphore, #tpu.memory_space<semaphore_mem>>
      tpu.wait_indirect_dma semaphore(%dma_wait3A_172 : memref<!tpu.dma_semaphore, #tpu.memory_space<semaphore_mem>>) src(%dma_wait3A_164 : memref<128x8xf32, #tpu.memory_space<vmem>>) dst(%dma_wait3A_170 : memref<10240x8xf32, #tpu.memory_space<vmem_shared>>)
      %dma_wait3A_173 = arith.constant 4 : i32
      %dma_wait3A_174 = arith.constant 0 : i32
      %dma_wait3A_175 = arith.constant 4 : i32
      %dma_wait3A_176 = arith.constant 0 : i32
      %dma_wait3A_177 = arith.constant 0 : i32
      %dma_wait3A_178 = tpu.memref_slice %arg11[%dma_wait3A_173, %dma_wait3A_176, %dma_wait3A_177] : memref<10x128x8xf32, #tpu.memory_space<vmem>> -> memref<1x128x8xf32, #tpu.memory_space<vmem>>
      %dma_wait3A_179 = tpu.memref_squeeze %dma_wait3A_178 : memref<1x128x8xf32, #tpu.memory_space<vmem>> -> memref<128x8xf32, #tpu.memory_space<vmem>>
      %dma_wait3A_180 = arith.constant 0 : i32
      %dma_wait3A_181 = tpu.memref_slice %arg10[%dma_wait3A_174, %dma_wait3A_180] : memref<160x128xi32, #tpu.memory_space<vmem>> -> memref<1x128xi32, #tpu.memory_space<vmem>>
      %dma_wait3A_182 = tpu.memref_squeeze %dma_wait3A_181 : memref<1x128xi32, #tpu.memory_space<vmem>> -> memref<128xi32, #tpu.memory_space<vmem>>
      %dma_wait3A_183 = arith.constant 0 : i32
      %dma_wait3A_184 = arith.constant 0 : i32
      %dma_wait3A_185 = tpu.memref_slice %arg20[%dma_wait3A_183, %dma_wait3A_184] : memref<10240x8xf32, #tpu.memory_space<vmem_shared>> -> memref<10240x8xf32, #tpu.memory_space<vmem_shared>>
      %dma_wait3A_186 = tpu.memref_slice %arg23[%dma_wait3A_175] : memref<10x!tpu.dma_semaphore, #tpu.memory_space<semaphore_mem>> -> memref<1x!tpu.dma_semaphore, #tpu.memory_space<semaphore_mem>>
      %dma_wait3A_187 = tpu.memref_squeeze %dma_wait3A_186 : memref<1x!tpu.dma_semaphore, #tpu.memory_space<semaphore_mem>> -> memref<!tpu.dma_semaphore, #tpu.memory_space<semaphore_mem>>
      tpu.wait_indirect_dma semaphore(%dma_wait3A_187 : memref<!tpu.dma_semaphore, #tpu.memory_space<semaphore_mem>>) src(%dma_wait3A_179 : memref<128x8xf32, #tpu.memory_space<vmem>>) dst(%dma_wait3A_185 : memref<10240x8xf32, #tpu.memory_space<vmem_shared>>)
      %dma_wait3A_188 = arith.constant 5 : i32
      %dma_wait3A_189 = arith.constant 0 : i32
      %dma_wait3A_190 = arith.constant 5 : i32
      %dma_wait3A_191 = arith.constant 0 : i32
      %dma_wait3A_192 = arith.constant 0 : i32
      %dma_wait3A_193 = tpu.memref_slice %arg11[%dma_wait3A_188, %dma_wait3A_191, %dma_wait3A_192] : memref<10x128x8xf32, #tpu.memory_space<vmem>> -> memref<1x128x8xf32, #tpu.memory_space<vmem>>
      %dma_wait3A_194 = tpu.memref_squeeze %dma_wait3A_193 : memref<1x128x8xf32, #tpu.memory_space<vmem>> -> memref<128x8xf32, #tpu.memory_space<vmem>>
      %dma_wait3A_195 = arith.constant 0 : i32
      %dma_wait3A_196 = tpu.memref_slice %arg10[%dma_wait3A_189, %dma_wait3A_195] : memref<160x128xi32, #tpu.memory_space<vmem>> -> memref<1x128xi32, #tpu.memory_space<vmem>>
      %dma_wait3A_197 = tpu.memref_squeeze %dma_wait3A_196 : memref<1x128xi32, #tpu.memory_space<vmem>> -> memref<128xi32, #tpu.memory_space<vmem>>
      %dma_wait3A_198 = arith.constant 0 : i32
      %dma_wait3A_199 = arith.constant 0 : i32
      %dma_wait3A_200 = tpu.memref_slice %arg20[%dma_wait3A_198, %dma_wait3A_199] : memref<10240x8xf32, #tpu.memory_space<vmem_shared>> -> memref<10240x8xf32, #tpu.memory_space<vmem_shared>>
      %dma_wait3A_201 = tpu.memref_slice %arg23[%dma_wait3A_190] : memref<10x!tpu.dma_semaphore, #tpu.memory_space<semaphore_mem>> -> memref<1x!tpu.dma_semaphore, #tpu.memory_space<semaphore_mem>>
      %dma_wait3A_202 = tpu.memref_squeeze %dma_wait3A_201 : memref<1x!tpu.dma_semaphore, #tpu.memory_space<semaphore_mem>> -> memref<!tpu.dma_semaphore, #tpu.memory_space<semaphore_mem>>
      tpu.wait_indirect_dma semaphore(%dma_wait3A_202 : memref<!tpu.dma_semaphore, #tpu.memory_space<semaphore_mem>>) src(%dma_wait3A_194 : memref<128x8xf32, #tpu.memory_space<vmem>>) dst(%dma_wait3A_200 : memref<10240x8xf32, #tpu.memory_space<vmem_shared>>)
      %dma_wait3A_203 = arith.constant 6 : i32
      %dma_wait3A_204 = arith.constant 0 : i32
      %dma_wait3A_205 = arith.constant 6 : i32
      %dma_wait3A_206 = arith.constant 0 : i32
      %dma_wait3A_207 = arith.constant 0 : i32
      %dma_wait3A_208 = tpu.memref_slice %arg11[%dma_wait3A_203, %dma_wait3A_206, %dma_wait3A_207] : memref<10x128x8xf32, #tpu.memory_space<vmem>> -> memref<1x128x8xf32, #tpu.memory_space<vmem>>
      %dma_wait3A_209 = tpu.memref_squeeze %dma_wait3A_208 : memref<1x128x8xf32, #tpu.memory_space<vmem>> -> memref<128x8xf32, #tpu.memory_space<vmem>>
      %dma_wait3A_210 = arith.constant 0 : i32
      %dma_wait3A_211 = tpu.memref_slice %arg10[%dma_wait3A_204, %dma_wait3A_210] : memref<160x128xi32, #tpu.memory_space<vmem>> -> memref<1x128xi32, #tpu.memory_space<vmem>>
      %dma_wait3A_212 = tpu.memref_squeeze %dma_wait3A_211 : memref<1x128xi32, #tpu.memory_space<vmem>> -> memref<128xi32, #tpu.memory_space<vmem>>
      %dma_wait3A_213 = arith.constant 0 : i32
      %dma_wait3A_214 = arith.constant 0 : i32
      %dma_wait3A_215 = tpu.memref_slice %arg20[%dma_wait3A_213, %dma_wait3A_214] : memref<10240x8xf32, #tpu.memory_space<vmem_shared>> -> memref<10240x8xf32, #tpu.memory_space<vmem_shared>>
      %dma_wait3A_216 = tpu.memref_slice %arg23[%dma_wait3A_205] : memref<10x!tpu.dma_semaphore, #tpu.memory_space<semaphore_mem>> -> memref<1x!tpu.dma_semaphore, #tpu.memory_space<semaphore_mem>>
      %dma_wait3A_217 = tpu.memref_squeeze %dma_wait3A_216 : memref<1x!tpu.dma_semaphore, #tpu.memory_space<semaphore_mem>> -> memref<!tpu.dma_semaphore, #tpu.memory_space<semaphore_mem>>
      tpu.wait_indirect_dma semaphore(%dma_wait3A_217 : memref<!tpu.dma_semaphore, #tpu.memory_space<semaphore_mem>>) src(%dma_wait3A_209 : memref<128x8xf32, #tpu.memory_space<vmem>>) dst(%dma_wait3A_215 : memref<10240x8xf32, #tpu.memory_space<vmem_shared>>)
      %dma_wait3A_218 = arith.constant 7 : i32
      %dma_wait3A_219 = arith.constant 0 : i32
      %dma_wait3A_220 = arith.constant 7 : i32
      %dma_wait3A_221 = arith.constant 0 : i32
      %dma_wait3A_222 = arith.constant 0 : i32
      %dma_wait3A_223 = tpu.memref_slice %arg11[%dma_wait3A_218, %dma_wait3A_221, %dma_wait3A_222] : memref<10x128x8xf32, #tpu.memory_space<vmem>> -> memref<1x128x8xf32, #tpu.memory_space<vmem>>
      %dma_wait3A_224 = tpu.memref_squeeze %dma_wait3A_223 : memref<1x128x8xf32, #tpu.memory_space<vmem>> -> memref<128x8xf32, #tpu.memory_space<vmem>>
      %dma_wait3A_225 = arith.constant 0 : i32
      %dma_wait3A_226 = tpu.memref_slice %arg10[%dma_wait3A_219, %dma_wait3A_225] : memref<160x128xi32, #tpu.memory_space<vmem>> -> memref<1x128xi32, #tpu.memory_space<vmem>>
      %dma_wait3A_227 = tpu.memref_squeeze %dma_wait3A_226 : memref<1x128xi32, #tpu.memory_space<vmem>> -> memref<128xi32, #tpu.memory_space<vmem>>
      %dma_wait3A_228 = arith.constant 0 : i32
      %dma_wait3A_229 = arith.constant 0 : i32
      %dma_wait3A_230 = tpu.memref_slice %arg20[%dma_wait3A_228, %dma_wait3A_229] : memref<10240x8xf32, #tpu.memory_space<vmem_shared>> -> memref<10240x8xf32, #tpu.memory_space<vmem_shared>>
      %dma_wait3A_231 = tpu.memref_slice %arg23[%dma_wait3A_220] : memref<10x!tpu.dma_semaphore, #tpu.memory_space<semaphore_mem>> -> memref<1x!tpu.dma_semaphore, #tpu.memory_space<semaphore_mem>>
      %dma_wait3A_232 = tpu.memref_squeeze %dma_wait3A_231 : memref<1x!tpu.dma_semaphore, #tpu.memory_space<semaphore_mem>> -> memref<!tpu.dma_semaphore, #tpu.memory_space<semaphore_mem>>
      tpu.wait_indirect_dma semaphore(%dma_wait3A_232 : memref<!tpu.dma_semaphore, #tpu.memory_space<semaphore_mem>>) src(%dma_wait3A_224 : memref<128x8xf32, #tpu.memory_space<vmem>>) dst(%dma_wait3A_230 : memref<10240x8xf32, #tpu.memory_space<vmem_shared>>)
      %dma_wait3A_233 = arith.constant 8 : i32
      %dma_wait3A_234 = arith.constant 0 : i32
      %dma_wait3A_235 = arith.constant 8 : i32
      %dma_wait3A_236 = arith.constant 0 : i32
      %dma_wait3A_237 = arith.constant 0 : i32
      %dma_wait3A_238 = tpu.memref_slice %arg11[%dma_wait3A_233, %dma_wait3A_236, %dma_wait3A_237] : memref<10x128x8xf32, #tpu.memory_space<vmem>> -> memref<1x128x8xf32, #tpu.memory_space<vmem>>
      %dma_wait3A_239 = tpu.memref_squeeze %dma_wait3A_238 : memref<1x128x8xf32, #tpu.memory_space<vmem>> -> memref<128x8xf32, #tpu.memory_space<vmem>>
      %dma_wait3A_240 = arith.constant 0 : i32
      %dma_wait3A_241 = tpu.memref_slice %arg10[%dma_wait3A_234, %dma_wait3A_240] : memref<160x128xi32, #tpu.memory_space<vmem>> -> memref<1x128xi32, #tpu.memory_space<vmem>>
      %dma_wait3A_242 = tpu.memref_squeeze %dma_wait3A_241 : memref<1x128xi32, #tpu.memory_space<vmem>> -> memref<128xi32, #tpu.memory_space<vmem>>
      %dma_wait3A_243 = arith.constant 0 : i32
      %dma_wait3A_244 = arith.constant 0 : i32
      %dma_wait3A_245 = tpu.memref_slice %arg20[%dma_wait3A_243, %dma_wait3A_244] : memref<10240x8xf32, #tpu.memory_space<vmem_shared>> -> memref<10240x8xf32, #tpu.memory_space<vmem_shared>>
      %dma_wait3A_246 = tpu.memref_slice %arg23[%dma_wait3A_235] : memref<10x!tpu.dma_semaphore, #tpu.memory_space<semaphore_mem>> -> memref<1x!tpu.dma_semaphore, #tpu.memory_space<semaphore_mem>>
      %dma_wait3A_247 = tpu.memref_squeeze %dma_wait3A_246 : memref<1x!tpu.dma_semaphore, #tpu.memory_space<semaphore_mem>> -> memref<!tpu.dma_semaphore, #tpu.memory_space<semaphore_mem>>
      tpu.wait_indirect_dma semaphore(%dma_wait3A_247 : memref<!tpu.dma_semaphore, #tpu.memory_space<semaphore_mem>>) src(%dma_wait3A_239 : memref<128x8xf32, #tpu.memory_space<vmem>>) dst(%dma_wait3A_245 : memref<10240x8xf32, #tpu.memory_space<vmem_shared>>)
      %dma_wait3A_248 = arith.constant 9 : i32
      %dma_wait3A_249 = arith.constant 0 : i32
      %dma_wait3A_250 = arith.constant 9 : i32
      %dma_wait3A_251 = arith.constant 0 : i32
      %dma_wait3A_252 = arith.constant 0 : i32
      %dma_wait3A_253 = tpu.memref_slice %arg11[%dma_wait3A_248, %dma_wait3A_251, %dma_wait3A_252] : memref<10x128x8xf32, #tpu.memory_space<vmem>> -> memref<1x128x8xf32, #tpu.memory_space<vmem>>
      %dma_wait3A_254 = tpu.memref_squeeze %dma_wait3A_253 : memref<1x128x8xf32, #tpu.memory_space<vmem>> -> memref<128x8xf32, #tpu.memory_space<vmem>>
      %dma_wait3A_255 = arith.constant 0 : i32
      %dma_wait3A_256 = tpu.memref_slice %arg10[%dma_wait3A_249, %dma_wait3A_255] : memref<160x128xi32, #tpu.memory_space<vmem>> -> memref<1x128xi32, #tpu.memory_space<vmem>>
      %dma_wait3A_257 = tpu.memref_squeeze %dma_wait3A_256 : memref<1x128xi32, #tpu.memory_space<vmem>> -> memref<128xi32, #tpu.memory_space<vmem>>
      %dma_wait3A_258 = arith.constant 0 : i32
      %dma_wait3A_259 = arith.constant 0 : i32
      %dma_wait3A_260 = tpu.memref_slice %arg20[%dma_wait3A_258, %dma_wait3A_259] : memref<10240x8xf32, #tpu.memory_space<vmem_shared>> -> memref<10240x8xf32, #tpu.memory_space<vmem_shared>>
      %dma_wait3A_261 = tpu.memref_slice %arg23[%dma_wait3A_250] : memref<10x!tpu.dma_semaphore, #tpu.memory_space<semaphore_mem>> -> memref<1x!tpu.dma_semaphore, #tpu.memory_space<semaphore_mem>>
      %dma_wait3A_262 = tpu.memref_squeeze %dma_wait3A_261 : memref<1x!tpu.dma_semaphore, #tpu.memory_space<semaphore_mem>> -> memref<!tpu.dma_semaphore, #tpu.memory_space<semaphore_mem>>
      tpu.wait_indirect_dma semaphore(%dma_wait3A_262 : memref<!tpu.dma_semaphore, #tpu.memory_space<semaphore_mem>>) src(%dma_wait3A_254 : memref<128x8xf32, #tpu.memory_space<vmem>>) dst(%dma_wait3A_260 : memref<10240x8xf32, #tpu.memory_space<vmem_shared>>)
      %barrier3A_263 = arith.constant 0 : index
      tpu.barrier barrier_id(%barrier3A_263)
      "tpu.region"() ({
        %run_scoped3A = tpu.sem_alloc : memref<!tpu.dma_semaphore, #tpu.memory_space<semaphore_mem>>
        %dma_start3A_273 = arith.constant 0 : i32
        %dma_start3A_274 = tpu.memref_slice %arg20[%mul3A_0, %dma_start3A_273] : memref<10240x8xf32, #tpu.memory_space<vmem_shared>> -> memref<640x8xf32, #tpu.memory_space<vmem_shared>>
        %dma_start3A_275 = arith.constant 0 : i32
        %dma_start3A_276 = tpu.memref_slice %arg20[%mul3A_0, %dma_start3A_275] : memref<10240x8xf32, #tpu.memory_space<vmem_shared>> -> memref<640x8xf32, #tpu.memory_space<vmem_shared>>
        tpu.enqueue_dma source(%dma_start3A_276 : memref<640x8xf32, #tpu.memory_space<vmem_shared>>) target(%arg16 : memref<640x8xf32, #tpu.memory_space<vmem>>) target_semaphore(%run_scoped3A : memref<!tpu.dma_semaphore, #tpu.memory_space<semaphore_mem>>)
        %dma_wait3A_277 = arith.constant 0 : i32
        %dma_wait3A_278 = tpu.memref_slice %arg20[%mul3A_0, %dma_wait3A_277] : memref<10240x8xf32, #tpu.memory_space<vmem_shared>> -> memref<640x8xf32, #tpu.memory_space<vmem_shared>>
        %dma_wait3A_279 = arith.constant 0 : i32
        %dma_wait3A_280 = tpu.memref_slice %arg20[%mul3A_0, %dma_wait3A_279] : memref<10240x8xf32, #tpu.memory_space<vmem_shared>> -> memref<640x8xf32, #tpu.memory_space<vmem_shared>>
        tpu.wait_dma2 semaphore(%run_scoped3A : memref<!tpu.dma_semaphore, #tpu.memory_space<semaphore_mem>>) src(%dma_wait3A_280 : memref<640x8xf32, #tpu.memory_space<vmem_shared>>) dst(%arg16 : memref<640x8xf32, #tpu.memory_space<vmem>>)
        tpu.yield
      }) : () -> ()
      "tpu.region"() ({
        %run_scoped3A = tpu.sem_alloc : memref<!tpu.dma_semaphore, #tpu.memory_space<semaphore_mem>>
        %dma_start3A_273 = arith.constant 0 : i32
        %dma_start3A_274 = tpu.memref_slice %arg20[%mul3A_0, %dma_start3A_273] : memref<10240x8xf32, #tpu.memory_space<vmem_shared>> -> memref<640x8xf32, #tpu.memory_space<vmem_shared>>
        %dma_start3A_275 = arith.constant 0 : i32
        %dma_start3A_276 = tpu.memref_slice %arg20[%mul3A_0, %dma_start3A_275] : memref<10240x8xf32, #tpu.memory_space<vmem_shared>> -> memref<640x8xf32, #tpu.memory_space<vmem_shared>>
        tpu.enqueue_dma source(%arg18 : memref<640x8xf32, #tpu.memory_space<vmem>>) target(%dma_start3A_276 : memref<640x8xf32, #tpu.memory_space<vmem_shared>>) target_semaphore(%run_scoped3A : memref<!tpu.dma_semaphore, #tpu.memory_space<semaphore_mem>>)
        %dma_wait3A_277 = arith.constant 0 : i32
        %dma_wait3A_278 = tpu.memref_slice %arg20[%mul3A_0, %dma_wait3A_277] : memref<10240x8xf32, #tpu.memory_space<vmem_shared>> -> memref<640x8xf32, #tpu.memory_space<vmem_shared>>
        %dma_wait3A_279 = arith.constant 0 : i32
        %dma_wait3A_280 = tpu.memref_slice %arg20[%mul3A_0, %dma_wait3A_279] : memref<10240x8xf32, #tpu.memory_space<vmem_shared>> -> memref<640x8xf32, #tpu.memory_space<vmem_shared>>
        tpu.wait_dma2 semaphore(%run_scoped3A : memref<!tpu.dma_semaphore, #tpu.memory_space<semaphore_mem>>) src(%arg18 : memref<640x8xf32, #tpu.memory_space<vmem>>) dst(%dma_wait3A_280 : memref<640x8xf32, #tpu.memory_space<vmem_shared>>)
        tpu.yield
      }) : () -> ()
      %scan3A_264 = arith.constant 0 : i32
      %scan3A_265 = arith.constant 0 : i32
      %scan3A_266 = arith.constant 320 : i32
      %scan3A_267 = arith.addi %scan3A_265, %scan3A_266 : i32
      %scan3A_268 = arith.constant 1 : i32
      %scan3A_269 = scf.for %scan3A_273 = %scan3A_265 to %scan3A_267 step %scan3A_268 iter_args(%scan3A_274 = %scan3A_264) -> (i32)  : i32 {
        %mul3A_275 = arith.constant 16 : i32
        %mul3A_276 = arith.muli %scan3A_273, %mul3A_275 : i32
        %add3A = vector.broadcast %mul3A_276 : i32 to vector<16xi32>
        %add3A_277 = arith.addi %add3A, %iota3A : vector<16xi32>
        %shift_right_logical3A = arith.constant 3 : i32
        %shift_right_logical3A_278 = vector.broadcast %shift_right_logical3A : i32 to vector<16xi32>
        %shift_right_logical3A_279 = arith.shrui %add3A_277, %shift_right_logical3A_278 : vector<16xi32>
        %and3A = arith.constant 7 : i32
        %and3A_280 = vector.broadcast %and3A : i32 to vector<16xi32>
        %and3A_281 = arith.andi %add3A_277, %and3A_280 : vector<16xi32>
        %gather3A = tpu.vector_load_idx %arg16[%shift_right_logical3A_279, %and3A_281] : memref<640x8xf32, #tpu.memory_space<vmem>>[vector<16xi32>, vector<16xi32>], vector<16xf32>,
        %gather3A_282 = tpu.vector_load_idx %arg13[%shift_right_logical3A_279, %and3A_281] : memref<640x8xf32, #tpu.memory_space<vmem>>[vector<16xi32>, vector<16xi32>], vector<16xf32>,
        %gather3A_283 = tpu.vector_load_idx %arg14[%shift_right_logical3A_279, %and3A_281] : memref<640x8xf32, #tpu.memory_space<vmem>>[vector<16xi32>, vector<16xi32>], vector<16xf32>,
        %gather3A_284 = tpu.vector_load_idx %arg15[%shift_right_logical3A_279, %and3A_281] : memref<640x8xf32, #tpu.memory_space<vmem>>[vector<16xi32>, vector<16xi32>], vector<16xf32>,
        %add3A_285 = arith.addf %gather3A, %gather3A_282 : vector<16xf32>
        %mul3A_286 = arith.mulf %gather3A_283, %add3A_285 : vector<16xf32>
        %add3A_287 = arith.addf %mul3A_286, %gather3A_284 : vector<16xf32>
        tpu.vector_store_idx %arg13[%shift_right_logical3A_279, %and3A_281], %add3A_287 : memref<640x8xf32, #tpu.memory_space<vmem>>[vector<16xi32>, vector<16xi32>], vector<16xf32>,
        %scan3A_288 = arith.constant 0 : i32
        scf.yield %scan3A_288 : i32
      }
      %scan3A_270 = arith.constant 320 : i32
      "tpu.region"() ({
        %run_scoped3A = tpu.sem_alloc : memref<!tpu.dma_semaphore, #tpu.memory_space<semaphore_mem>>
        %dma_start3A_273 = arith.constant 0 : i32
        %dma_start3A_274 = tpu.memref_slice %arg21[%mul3A_0, %dma_start3A_273] : memref<10240x8xf32, #tpu.memory_space<vmem_shared>> -> memref<640x8xf32, #tpu.memory_space<vmem_shared>>
        %dma_start3A_275 = arith.constant 0 : i32
        %dma_start3A_276 = tpu.memref_slice %arg21[%mul3A_0, %dma_start3A_275] : memref<10240x8xf32, #tpu.memory_space<vmem_shared>> -> memref<640x8xf32, #tpu.memory_space<vmem_shared>>
        tpu.enqueue_dma source(%arg13 : memref<640x8xf32, #tpu.memory_space<vmem>>) target(%dma_start3A_276 : memref<640x8xf32, #tpu.memory_space<vmem_shared>>) target_semaphore(%run_scoped3A : memref<!tpu.dma_semaphore, #tpu.memory_space<semaphore_mem>>)
        %dma_wait3A_277 = arith.constant 0 : i32
        %dma_wait3A_278 = tpu.memref_slice %arg21[%mul3A_0, %dma_wait3A_277] : memref<10240x8xf32, #tpu.memory_space<vmem_shared>> -> memref<640x8xf32, #tpu.memory_space<vmem_shared>>
        %dma_wait3A_279 = arith.constant 0 : i32
        %dma_wait3A_280 = tpu.memref_slice %arg21[%mul3A_0, %dma_wait3A_279] : memref<10240x8xf32, #tpu.memory_space<vmem_shared>> -> memref<640x8xf32, #tpu.memory_space<vmem_shared>>
        tpu.wait_dma2 semaphore(%run_scoped3A : memref<!tpu.dma_semaphore, #tpu.memory_space<semaphore_mem>>) src(%arg13 : memref<640x8xf32, #tpu.memory_space<vmem>>) dst(%dma_wait3A_280 : memref<640x8xf32, #tpu.memory_space<vmem_shared>>)
        tpu.yield
      }) : () -> ()
      %barrier3A_271 = arith.constant 0 : index
      tpu.barrier barrier_id(%barrier3A_271)
      %scan3A_272 = arith.constant 0 : i32
      scf.yield %scan3A_272 : i32
    }
    %scan3A_22 = arith.constant 10 : i32
    %get3A = arith.constant 0 : index
    %get3A_23 = tpu.vector_load %arg19[%get3A] {strides = array<i32>} : memref<16xf32, #tpu.memory_space<vmem>>, vector<16xf32>,
    %scan3A_24 = arith.constant 0 : i32
    %scan3A_25 = arith.constant 0 : i32
    %scan3A_26 = arith.constant 320 : i32
    %scan3A_27 = arith.addi %scan3A_25, %scan3A_26 : i32
    %scan3A_28 = arith.constant 1 : i32
    %scan3A_29 = scf.for %scan3A_31 = %scan3A_25 to %scan3A_27 step %scan3A_28 iter_args(%scan3A_32 = %scan3A_24) -> (i32)  : i32 {
      %mul3A_33 = arith.constant 16 : i32
      %mul3A_34 = arith.muli %scan3A_31, %mul3A_33 : i32
      %add3A = vector.broadcast %mul3A_34 : i32 to vector<16xi32>
      %add3A_35 = arith.addi %add3A, %iota3A : vector<16xi32>
      %shift_right_logical3A = arith.constant 3 : i32
      %shift_right_logical3A_36 = vector.broadcast %shift_right_logical3A : i32 to vector<16xi32>
      %shift_right_logical3A_37 = arith.shrui %add3A_35, %shift_right_logical3A_36 : vector<16xi32>
      %and3A = arith.constant 7 : i32
      %and3A_38 = vector.broadcast %and3A : i32 to vector<16xi32>
      %and3A_39 = arith.andi %add3A_35, %and3A_38 : vector<16xi32>
      %gather3A = tpu.vector_load_idx %arg13[%shift_right_logical3A_37, %and3A_39] : memref<640x8xf32, #tpu.memory_space<vmem>>[vector<16xi32>, vector<16xi32>], vector<16xf32>,
      %gather3A_40 = tpu.vector_load_idx %arg17[%shift_right_logical3A_37, %and3A_39] : memref<640x8xf32, #tpu.memory_space<vmem>>[vector<16xi32>, vector<16xi32>], vector<16xf32>,
      %mul3A_41 = arith.mulf %gather3A_40, %gather3A : vector<16xf32>
      %add3A_42 = arith.addf %mul3A_41, %get3A_23 : vector<16xf32>
      tpu.vector_store_idx %arg15[%shift_right_logical3A_37, %and3A_39], %add3A_42 : memref<640x8xf32, #tpu.memory_space<vmem>>[vector<16xi32>, vector<16xi32>], vector<16xf32>,
      %scan3A_43 = arith.constant 0 : i32
      scf.yield %scan3A_43 : i32
    }
    %scan3A_30 = arith.constant 320 : i32
    "tpu.region"() ({
      %run_scoped3A = tpu.sem_alloc : memref<!tpu.dma_semaphore, #tpu.memory_space<semaphore_mem>>
      %dma_start3A = arith.constant 0 : i32
      %dma_start3A_31 = tpu.memref_slice %arg8[%mul3A_0, %dma_start3A] : memref<10240x8xf32, #tpu.memory_space<hbm>> -> memref<640x8xf32, #tpu.memory_space<hbm>>
      %dma_start3A_32 = arith.constant 0 : i32
      %dma_start3A_33 = tpu.memref_slice %arg8[%mul3A_0, %dma_start3A_32] : memref<10240x8xf32, #tpu.memory_space<hbm>> -> memref<640x8xf32, #tpu.memory_space<hbm>>
      tpu.enqueue_dma source(%arg15 : memref<640x8xf32, #tpu.memory_space<vmem>>) target(%dma_start3A_33 : memref<640x8xf32, #tpu.memory_space<hbm>>) target_semaphore(%run_scoped3A : memref<!tpu.dma_semaphore, #tpu.memory_space<semaphore_mem>>)
      %dma_wait3A = arith.constant 0 : i32
      %dma_wait3A_34 = tpu.memref_slice %arg8[%mul3A_0, %dma_wait3A] : memref<10240x8xf32, #tpu.memory_space<hbm>> -> memref<640x8xf32, #tpu.memory_space<hbm>>
      %dma_wait3A_35 = arith.constant 0 : i32
      %dma_wait3A_36 = tpu.memref_slice %arg8[%mul3A_0, %dma_wait3A_35] : memref<10240x8xf32, #tpu.memory_space<hbm>> -> memref<640x8xf32, #tpu.memory_space<hbm>>
      tpu.wait_dma2 semaphore(%run_scoped3A : memref<!tpu.dma_semaphore, #tpu.memory_space<semaphore_mem>>) src(%arg15 : memref<640x8xf32, #tpu.memory_space<vmem>>) dst(%dma_wait3A_36 : memref<640x8xf32, #tpu.memory_space<hbm>>)
      tpu.yield
    }) : () -> ()
    return
  }
}

module attributes {stable_mosaic.version = 14 : i64} {
  func.func @_enc_body(%arg0: i32, %arg1: memref<512x128xf32, #tpu.memory_space<vmem>>, %arg2: memref<128x64xf32, #tpu.memory_space<vmem>>, %arg3: memref<1x64xf32, #tpu.memory_space<vmem>>, %arg4: memref<64x16xf32, #tpu.memory_space<vmem>>, %arg5: memref<512x16xf32, #tpu.memory_space<vmem>>) attributes {dimension_semantics = [#tpu.dimension_semantics<arbitrary>], iteration_bounds = array<i64: 20>, scalar_prefetch = 0 : i64, scratch_operands = 0 : i64, tpu.core_type = #tpu.core_type<tc>, window_params = [{transform_indices = @transform_0, window_bounds = array<i64: 512, 128>}, {pipeline_mode = #tpu.pipeline_mode<synchronous>, transform_indices = @transform_1, window_bounds = array<i64: 128, 64>}, {pipeline_mode = #tpu.pipeline_mode<synchronous>, transform_indices = @transform_2, window_bounds = array<i64: 1, 64>}, {pipeline_mode = #tpu.pipeline_mode<synchronous>, transform_indices = @transform_3, window_bounds = array<i64: 64, 16>}, {transform_indices = @transform_4, window_bounds = array<i64: 512, 16>}]} {
    %get3A = arith.constant 0 : index
    %get3A_0 = arith.constant 0 : index
    %get3A_1 = vector.load %arg1[%get3A, %get3A_0] : memref<512x128xf32, #tpu.memory_space<vmem>>, vector<512x128xf32>
    %get3A_2 = arith.constant 0 : index
    %get3A_3 = arith.constant 0 : index
    %get3A_4 = vector.load %arg2[%get3A_2, %get3A_3] : memref<128x64xf32, #tpu.memory_space<vmem>>, vector<128x64xf32>
    %dot_general3A = arith.constant dense<0.000000e+00> : vector<512x64xf32>
    %dot_general3A_5 = tpu.matmul %get3A_1, %get3A_4, %dot_general3A {dimension_numbers = #tpu.dot_dimension_numbers<[1], [0], [0], [1], [0, 0, 1, 1], [], []>, precision = #tpu.contract_precision<fp32>, transpose_lhs_hint = false} : vector<512x128xf32>, vector<128x64xf32>, vector<512x64xf32> -> vector<512x64xf32>
    %get3A_6 = arith.constant 0 : index
    %get3A_7 = arith.constant 0 : index
    %get3A_8 = vector.load %arg3[%get3A_6, %get3A_7] : memref<1x64xf32, #tpu.memory_space<vmem>>, vector<1x64xf32>
    %add3A = vector.broadcast %get3A_8 : vector<1x64xf32> to vector<512x64xf32>
    %add3A_9 = arith.addf %dot_general3A_5, %add3A : vector<512x64xf32>
    %max3A = arith.constant 0.000000e+00 : f32
    %max3A_10 = vector.broadcast %max3A : f32 to vector<512x64xf32>
    %max3A_11 = arith.maximumf %add3A_9, %max3A_10 : vector<512x64xf32>
    %get3A_12 = arith.constant 0 : index
    %get3A_13 = arith.constant 0 : index
    %get3A_14 = vector.load %arg4[%get3A_12, %get3A_13] : memref<64x16xf32, #tpu.memory_space<vmem>>, vector<64x16xf32>
    %dot_general3A_15 = arith.constant dense<0.000000e+00> : vector<512x16xf32>
    %dot_general3A_16 = tpu.matmul %max3A_11, %get3A_14, %dot_general3A_15 {dimension_numbers = #tpu.dot_dimension_numbers<[1], [0], [0], [1], [0, 0, 1, 1], [], []>, precision = #tpu.contract_precision<fp32>, transpose_lhs_hint = false} : vector<512x64xf32>, vector<64x16xf32>, vector<512x16xf32> -> vector<512x16xf32>
    %iota3A = tpu.iota {dimensions = array<i32: 0>} : vector<512x16xi32>
    %mul3A = arith.constant 512 : i32
    %mul3A_17 = arith.muli %arg0, %mul3A : i32
    %add3A_18 = vector.broadcast %mul3A_17 : i32 to vector<512x16xi32>
    %add3A_19 = arith.addi %iota3A, %add3A_18 : vector<512x16xi32>
    %lt3A = arith.constant 10000 : i32
    %lt3A_20 = vector.broadcast %lt3A : i32 to vector<512x16xi32>
    %lt3A_21 = arith.cmpi slt, %add3A_19, %lt3A_20 : vector<512x16xi32>
    %jit3A = arith.constant 0.000000e+00 : f32
    %broadcast_in_dim3A = vector.broadcast %jit3A : f32 to vector<512x16xf32>
    %select_n3A = arith.select %lt3A_21, %dot_general3A_16, %broadcast_in_dim3A : vector<512x16xi1>, vector<512x16xf32>
    %swap3A = arith.constant 0 : index
    %swap3A_22 = arith.constant 0 : index
    %swap3A_23 = vector.load %arg5[%swap3A, %swap3A_22] : memref<512x16xf32, #tpu.memory_space<vmem>>, vector<512x16xf32>
    tpu.vector_store %arg5[%swap3A, %swap3A_22], %select_n3A {strides = array<i32>} : memref<512x16xf32, #tpu.memory_space<vmem>>, vector<512x16xf32>,
    return
  }
  func.func @transform_0(%arg0: i32) -> (i32, i32) {
    %c0_i32 = arith.constant 0 : i32
    %c0_i32_0 = arith.constant 0 : i32
    return %arg0, %c0_i32 : i32, i32
  }
  func.func @transform_1(%arg0: i32) -> (i32, i32) {
    %c0_i32 = arith.constant 0 : i32
    %c0_i32_0 = arith.constant 0 : i32
    %c0_i32_1 = arith.constant 0 : i32
    return %c0_i32, %c0_i32_0 : i32, i32
  }
  func.func @transform_2(%arg0: i32) -> (i32, i32) {
    %c0_i32 = arith.constant 0 : i32
    %c0_i32_0 = arith.constant 0 : i32
    %c0_i32_1 = arith.constant 0 : i32
    return %c0_i32, %c0_i32_0 : i32, i32
  }
  func.func @transform_3(%arg0: i32) -> (i32, i32) {
    %c0_i32 = arith.constant 0 : i32
    %c0_i32_0 = arith.constant 0 : i32
    %c0_i32_1 = arith.constant 0 : i32
    return %c0_i32, %c0_i32_0 : i32, i32
  }
  func.func @transform_4(%arg0: i32) -> (i32, i32) {
    %c0_i32 = arith.constant 0 : i32
    %c0_i32_0 = arith.constant 0 : i32
    return %arg0, %c0_i32 : i32, i32
  }
}

</mosaic_0001>

<sc_bundles>
// kernel: kernel.4.cloned.1.call-start
scs
__scs_entry_jumppad:
0x0: {  	(pc) =	sbr.rel $0x88, $3  }
0x1: {  	(tag) =	ssettag $0x0;
	lr =	simm.s32 $0x1  }
0x2: {  	[smem:$0x3F9B] =	sst lr;
	_ =	strace $0xD0000000  }
0x3: {  	_ = 	snop  }
0x4: {  	_ = 	snop  }
0x5: {  	_ = 	snop  }
0x6: {  	_ = 	snop  }
0x7: {  	_ = 	snop  }
__scs_overlays_trampoline_lowered:
0x8: {  	[smem:$0x3FAA] =	sst s0  }
0x9: {  	[smem:$0x3FAB] =	sst s1  }
0xa: {  	[smem:$0x3FAC] =	sst s2  }
0xb: {  	[smem:$0x3FAD] =	sst s3  }
0xc: {  	[smem:$0x3FAE] =	sst s4  }
0xd: {  	[smem:$0x3FAF] =	sst s5  }
0xe: {  	[smem:$0x3FB0] =	sst s6  }
0xf: {  	[smem:$0x3FB1] =	sst s7  }
0x10: {  	[smem:$0x3FB2] =	sst s8  }
0x11: {  	[smem:$0x3FB3] =	sst s9;
	s0 =	simm.s32 @!p0 $0x0  }
0x12: {  	s1 =	sld [smem:$0x3F99];
	s0 =	simm.s32 @p0 $0x1  }
0x13: {  	[smem:$0x3FB4] =	sst s0;
	s0 =	simm.s32 @!p1 $0x0  }
0x14: {  	s2 =	sld [smem:$0x3F98];
	s0 =	simm.s32 @p1 $0x1  }
0x15: {  	[smem:$0x3FB5] =	sst s0;
	s0 =	simm.s32 @!p2 $0x0  }
0x16: {  	s3 =	sld [smem:$0x3FDB];
	s0 =	simm.s32 @p2 $0x1  }
0x17: {  	s4 =	simm.s32 $0x1BF5;
	[smem:$0x3FB7] =	sst s0  }
0x18: {  	s0 =	sld [smem:$0x3F9A];
	_ =	swait.ge [sflag:s4], $0x0  }
0x19: {  	s7 =	sld [smem:$0x3F9B]  }
0x1a: {  	s8 =	sadd.s32 $0xFFFFE003, lr  }
0x1b: {  	s9 =	sadd.s32 $0xFFFFFEF7, lr;
	s5 =	simm.s32 $0xFFFFFFFF;
	p2 =	slt.u32 s8, $0xFFFFF086  }
0x1c: {  	p1 =	slt.u32 s9, $0xF7A;
	s5 =	simm.s32 @!p2 $0x0  }
0x1d: {  	s5 =	simm.s32 @p1 $0x1;
	p0 =	seq.s32 s7, s2  }
0x1e: {  	s7 =	smul.u32 @!p0 $0xF7A, s2;
	p2 =	seq.s32 @!p0 s5, $0x0  }
0x1f: {  	s9 =	smul.u32 $0xF7A, s1;
	s8 =	simm.s32 @!p0 $0x1BF5;
	p2 =	por !p2, p0  }
0x20: {  	[sflag:s8] =	ssyncset.s32 @!p0 $0xFFFFF086;
	s6 =	sadd.s32 @!p0 s3, s7;
	s7 =	simm.s32 @!p0 $0x108  }
0x21: {  	s3 =	sadd.s32 s3, s9;
	s6 =	sadd.s32 @!p0 $0x88, s6;
	s7 =	simm.s32 @p2 $0x1082  }
0x22: {  	[simem:s7], [sflag:s8] =	dma.local @!p0 [hbm:s6], $0xF7A  }
0x23: {  	s9 =	sor.u32 $0xD0000000, s2;
	s6 =	simm.s32 $0x108;
	_ =	swait.ge @!p0 [sflag:s8], $0x0  }
0x24: {  	s3 =	sadd.s32 $0x88, s3;
	s6 =	simm.s32 @!p1 $0x1082;
	[sflag:s4] =	ssyncset.s32 $0xFFFFF086  }
0x25: {  	[simem:s6], [sflag:s4] =	dma.local [hbm:s3], $0xF7A  }
0x26: {  	[smem:$0x3F9B] =	sst s1;
	(tag) =	ssettag s2;
	_ =	strace s9  }
0x27: {  	s1 =	sld [smem:$0x3FAB]  }
0x28: {  	s2 =	sld [smem:$0x3FAC]  }
0x29: {  	s4 =	sld [smem:$0x3FAE]  }
0x2a: {  	p0 =	seq.s32 s5, $0x0;
	s5 =	sld [smem:$0x3FAF]  }
0x2b: {  	s6 =	sld [smem:$0x3FB0]  }
0x2c: {  	s7 =	sld [smem:$0x3FB1]  }
0x2d: {  	s3 =	simm.s32 $0x108;
	s8 =	sld [smem:$0x3FB2]  }
0x2e: {  	s3 =	simm.s32 @!p0 $0x1082;
	s9 =	sld [smem:$0x3FB3]  }
0x2f: {  	lr =	sadd.s32 s0, s3;
	s0 =	sld [smem:$0x3FAA]  }
0x30: {  	s3 =	sld [smem:$0x3FAD]  }
0x31: {  	[smem:$0x3FB6] =	sst s10  }
0x32: {  	s10 =	sld [smem:$0x3FB4];
	_ =	sdelay $0x3  }
0x33: {  	p0 =	seq.s32 s10, $0x1;
	s10 =	sld [smem:$0x3FB6];
	_ =	sdelay $0x3  }
0x34: {  	[smem:$0x3FB6] =	sst s10  }
0x35: {  	s10 =	sld [smem:$0x3FB5];
	_ =	sdelay $0x3  }
0x36: {  	p1 =	seq.s32 s10, $0x1;
	s10 =	sld [smem:$0x3FB6];
	_ =	sdelay $0x3  }
0x37: {  	[smem:$0x3FB6] =	sst s10  }
0x38: {  	s10 =	sld [smem:$0x3FB7]  }
0x39: {  	_ = 	snop;
	(pc) =	sbr.ind lr, $3  }
0x3a: {  	_ = 	snop  }
0x3b: {  	_ = 	snop  }
0x3c: {  	p2 =	seq.s32 s10, $0x1;
	s10 =	sld [smem:$0x3FB6]  }
0x3d: {  	_ =	shalt  }
0x3e: {  	_ =	shalt  }
0x3f: {  	_ =	shalt  }
0x40: {  	_ =	shalt  }
0x41: {  	_ =	shalt  }
0x42: {  	_ =	shalt  }
0x43: {  	_ =	shalt  }
0x44: {  	_ =	shalt  }
0x45: {  	_ =	shalt  }
0x46: {  	_ =	shalt  }
0x47: {  	_ =	shalt  }
0x48: {  	_ =	shalt  }
0x49: {  	_ =	shalt  }
0x4a: {  	_ =	shalt  }
0x4b: {  	_ =	shalt  }
0x4c: {  	_ =	shalt  }
0x4d: {  	_ =	shalt  }
0x4e: {  	_ =	shalt  }
0x4f: {  	_ =	shalt  }
0x50: {  	_ =	shalt  }
0x51: {  	_ =	shalt  }
0x52: {  	_ =	shalt  }
0x53: {  	_ =	shalt  }
0x54: {  	_ =	shalt  }
0x55: {  	_ =	shalt  }
0x56: {  	_ =	shalt  }
0x57: {  	_ =	shalt  }
0x58: {  	_ =	shalt  }
0x59: {  	_ =	shalt  }
0x5a: {  	_ =	shalt  }
0x5b: {  	_ =	shalt  }
0x5c: {  	_ =	shalt  }
0x5d: {  	_ =	shalt  }
0x5e: {  	_ =	shalt  }
0x5f: {  	_ =	shalt  }
0x60: {  	_ =	shalt  }
0x61: {  	_ =	shalt  }
0x62: {  	_ =	shalt  }
0x63: {  	_ =	shalt  }
0x64: {  	_ =	shalt  }
0x65: {  	_ =	shalt  }
0x66: {  	_ =	shalt  }
0x67: {  	_ =	shalt  }
0x68: {  	_ =	shalt  }
0x69: {  	_ =	shalt  }
0x6a: {  	_ =	shalt  }
0x6b: {  	_ =	shalt  }
0x6c: {  	_ =	shalt  }
0x6d: {  	_ =	shalt  }
0x6e: {  	_ =	shalt  }
0x6f: {  	_ =	shalt  }
0x70: {  	_ =	shalt  }
0x71: {  	_ =	shalt  }
0x72: {  	_ =	shalt  }
0x73: {  	_ =	shalt  }
0x74: {  	_ =	shalt  }
0x75: {  	_ =	shalt  }
0x76: {  	_ =	shalt  }
0x77: {  	_ =	shalt  }
0x78: {  	_ =	shalt  }
0x79: {  	_ =	shalt  }
0x7a: {  	_ =	shalt  }
0x7b: {  	_ =	shalt  }
0x7c: {  	_ =	shalt  }
0x7d: {  	_ =	shalt  }
0x7e: {  	_ =	shalt  }
0x7f: {  	_ =	shalt  }
0x80: {  	_ =	shalt  }
0x81: {  	_ =	shalt  }
0x82: {  	_ =	shalt  }
0x83: {  	_ =	shalt  }
0x84: {  	_ =	shalt  }
0x85: {  	_ =	shalt  }
0x86: {  	_ =	shalt  }
0x87: {  	_ =	shalt  }
.Lfunc_end0:
.L_simem_size_0:
called_computation_lowered:
.L_overlay_start_0:
0x88: {  	s0 =	sld [smem:$0x3FD9]  }
0x89: {  	s1 =	sld [smem:$0x3FFE];
	_ =	sdelay $0x3  }
0x8a: {  	s0 =	sadd.s32 s1, s0  }
0x8b: {  	[smem:$0x3FC2] =	sst s0  }
0x8c: {  	_ = 	snop  }
0x8d: {  	s0 =	sld [smem:$0x3FD0];
	(tm) =	ssettm $0x1  }
0x8e: {  	s16 =	sld [smem:$0x3FFB];
	_ =	sdelay $0x3  }
0x8f: {  	_ =	strace s16  }
0x90: {  	s1 =	sld [smem:$0x3FFC];
	_ =	sdelay $0x3  }
0x91: {  	_ =	strace s1  }
0x92: {  	s1 =	sld [smem:$0x3FFD];
	_ =	sdelay $0x3  }
0x93: {  	_ =	strace s1  }
0x94: {  	_ =	strace $0x8FFFFFFF  }
0x95: {  	s17 =	sld [smem:$0x3FDB];
	_ =	sdelay $0x1  }
0x96: {  	s2 =	simm.s32 $_scs_section_size  }
0x97: {  	s3 =	simm.s32 $_size__tile_overlayer_lowered;
	s4 =	simm.s32 $_tile_overlayer_lowered  }
0x98: {  	s20 =	simm.s32 $0x1BFF;
	s19 =	sshll.u32 s4, $0x1;
	s1 =	sadd.s32 s2, s17  }
0x99: {  	s5 =	simm.s32 $0x0;
	s18 =	sshll.u32 s3, $0x1;
	s3 =	sadd.s32 s19, s1  }
0x9a: {  	[timem:s5], [sflag:s20] =	dma.local [hbm:s3], s18  }
0x9b: {  	_ =	swait.ge [sflag:s20], s18  }
0x9c: {  	s2 =	ssub.s32 $0x0, s18;
	[sflag:s20] =	ssyncset.done $0x0  }
0x9d: {  	[sflag:s20] =	ssyncadd.s32 s2;
	_ =	sdelay $0x1  }
0x9e: {  	s21 =	simm.s32 $0x1B8B  }
0x9f: {  	_ =	swait.ge [sflag:s21], $0x1  }
0xa0: {  	[sflag:s21] =	ssyncset.done $0x0  }
0xa1: {  	s23 =	simm.s32 $0x1B8E;
	s22 =	sld [smem:$0x3FFE];
	[sflag:s21] =	ssyncadd.s32 $0xFFFFFFFF  }
0xa2: {  	s24 =	simm.s32 $execute0_lowered;
	[smem:$0x3FD2] =	sst s23  }
0xa3: {  	s3 =	sshll.u32 s24, $0x1;
	_ =	strace $0x80000046;
	[dreg:$0x1] =	wrdreg $0xFFFFFFFF  }
0xa4: {  	s25 =	simm.s32 $_size_execute0_lowered;
	s1 =	sadd.s32 s1, s3;
	[dreg:$0x0] =	wrdreg $0x0  }
0xa5: {  	s3 =	sshll.u32 s25, $0x1;
	[dreg:$0x2] =	wrdreg s1  }
0xa6: {  	[dreg:$0x3] =	wrdreg s3  }
0xa7: {  	[dreg:$0x4] =	wrdreg $0xC0  }
0xa8: {  	_ =	task [dreg:s5], $0x5FFFF  }
0xa9: {  	[dreg:$0x1] =	wrdreg $0xFFFFFFFF  }
0xaa: {  	[dreg:$0x0] =	wrdreg $0x60  }
0xab: {  	[dreg:$0x2] =	wrdreg s22  }
0xac: {  	[dreg:$0x3] =	wrdreg s0  }
0xad: {  	[dreg:$0x4] =	wrdreg $0x144100  }
0xae: {  	[dreg:$0x5] =	wrdreg $0x158100  }
0xaf: {  	[dreg:$0x6] =	wrdreg $0x9  }
0xb0: {  	_ =	task.clear_ibuf [dreg:s5], $0x7FFFF;
	_ =	strace $0x90000046  }
0xb1: {  	s26 =	simm.s32 $0x9;
	_ =	strace $0x80000048  }
0xb2: {  	_ =	swait.ge [sflag:s26], $0x1  }
0xb3: {  	[sflag:s26] =	ssyncadd.s32 $0xFFFFFFFF  }
0xb4: {  	_ =	strace $0x90000048  }
0xb5: {  	_ =	sfence  }
0xb6: {  	s28 =	sld [smem:$0x0];
	_ =	sdelay $0x1  }
0xb7: {  	s29 =	srdreg.scid  }
0xb8: {  	s30 =	sshll.u32 s29, $0xD;
	s31 =	sshrl.u32 s29, $0x2  }
0xb9: {  	s2 =	sand.u32 $0x4000, s30;
	s1 =	sand.u32 $0x1, s29;
	s0 =	sadd.s32 s31, s28  }
0xba: {  	s1 =	sor.u32 s2, s1;
	s0 =	sshll.u32 s0, $0x11  }
0xbb: {  	s0 =	sor.u32 s0, s1  }
0xbc: {  	s0 =	sadd.s32 $0x8F2B, s0  }
0xbd: {  	[sflag:s0] =	ssyncadd.remote.s32 $0x1  }
0xbe: {  	_ =	sfence.sel $0xFFFF  }
0xbf: {  	[dreg:$0x0] =	wrdreg $0xFFFFFFFF;
	(pc) =	sbr.abs _section_cstart, $3  }
0xc0: {  	[dreg:$0x1] =	wrdreg $0xFFFFFFFF  }
0xc1: {  	_ =	task.clear_ibuf [dreg:s5], $0x2FFFF;
	_ =	strace $0x9FFFFFFF  }
0xc2: {  	(tm) =	ssettm $0x7FFFFFFF  }
0xc3: {  	_ =	shalt  }
tec
execute0_lowered:
.L_overlay_start_1:
0x0: {  	(tag) =	ssettag $0x1  }
0x1: {  	s6 =	rddreg [dreg:$0x0]  }
0x2: {  	s5 =	rddreg [dreg:$0x1];
	s8 =	stileid.u32  }
0x3: {  	s3 =	rddreg [dreg:$0x2];
	s0 =	smul.u32 $0xA00, s8  }
0x4: {  	s4 =	rddreg [dreg:$0x3];
	s7 =	simm.s32 $0x0  }
0x5: {  	[smem:$0x7FF] =	sst s7;
	s2 =	sadd.s32 s0, s6  }
0x6: {  	s1 =	simm.s32 $0x15;
	_ =	strace $0x80000047;
	s0 =	sadd.s32 $0xA600, s2  }
0x7: {  	[tilespmem:s7], [sflag:$0x15] =	stream.linear.gather [hbm4b:s0+s7], $0x5000, $0x38;
	[tilespmem:$0x16C10] =	vst v63  }
0x8: {  	_ =	swait.ge [sflag:s1], $0x5000  }
0x9: {  	s23 =	simm.s32 $0x5000;
	[sflag:s1] =	ssyncset.done $0x0  }
0xa: {  	s2 =	sadd.s32 $0x600, s2;
	s0 =	smul.u32 $0x1400, s8;
	[sflag:s1] =	ssyncadd.s32 $0xFFFFB000  }
0xb: {  	[tilespmem:s23], [sflag:$0x15] =	stream.linear.gather [hbm4b:s2+s7], $0x5000, $0x38;
	[tilespmem:$0x16C10] =	vst v63  }
0xc: {  	s24 =	sshrl.u32 s0, $0x3;
	_ =	swait.ge [sflag:s1], $0x5000  }
0xd: {  	s25 =	simm.s32 $0xCC00;
	s2 =	sadd.s32 s24, s6;
	[sflag:s1] =	ssyncset.done $0x0  }
0xe: {  	[dreg:$0x5] =	wrdreg s24;
	s2 =	sadd.s32 $0x14600, s2;
	[sflag:s1] =	ssyncadd.s32 $0xFFFFB000  }
0xf: {  	[tilespmem:s25], [sflag:$0x15] =	stream.linear.gather [hbm4b:s2+s7], $0x1400, $0x38;
	[tilespmem:$0x16C10] =	vst v63  }
0x10: {  	_ =	swait.ge [sflag:s1], $0x1400  }
0x11: {  	[sflag:s1] =	ssyncset.done $0x0  }
0x12: {  	s26 =	sadd.s32 $0x17000, s6;
	s2 =	simm.s32 $0xC800;
	[sflag:s1] =	ssyncadd.s32 $0xFFFFEC00  }
0x13: {  	[tilespmem:s2], [sflag:$0x15] =	stream.linear.gather [hbm4b:s26+s7], $0x400, $0x38;
	[tilespmem:$0x16C10] =	vst v63  }
0x14: {  	_ =	swait.ge [sflag:s1], $0x400  }
0x15: {  	[sflag:s1] =	ssyncset.done $0x0  }
0x16: {  	s28 =	simm.s32 $0x13000;
	[sflag:s1] =	ssyncadd.s32 $0xFFFFFC00  }
0x17: {  	[tilespmem:s28], [sflag:$0x15] =	stream.linear.gather [hbm4b:s5+s7], $0x1400, $0x38;
	[tilespmem:$0x16C10] =	vst v63  }
0x18: {  	_ =	swait.ge [sflag:s1], $0x1400  }
0x19: {  	[sflag:s1] =	ssyncset.done $0x0  }
0x1a: {  	s9 =	simm.s32 $0x14400;
	s29 =	sadd.s32 $0x16E00, s6;
	[sflag:s1] =	ssyncadd.s32 $0xFFFFEC00  }
0x1b: {  	[tilespmem:s9], [sflag:$0x15] =	stream.linear.gather [hbm4b:s29+s7], $0x10, $0x38;
	[tilespmem:$0x16C10] =	vst v63  }
0x1c: {  	_ =	swait.ge [sflag:s1], $0x10  }
0x1d: {  	s30 =	sadd.s32 s0, s3;
	[sflag:s1] =	ssyncset.done $0x0  }
0x1e: {  	[dreg:$0x7] =	wrdreg s30;
	[sflag:s1] =	ssyncadd.s32 $0xFFFFFFF0  }
0x1f: {  	[spmem:s30] =	stream.linear.scatter [tilespmem:s28], [sflag:$0x15], $0x1400, $0x38;
	[tilespmem:$0x16C10] =	vst v63  }
0x20: {  	_ =	swait.ge [sflag:s1], $0x1400  }
0x21: {  	[sflag:s1] =	ssyncset.done $0x0  }
0x22: {  	s31 =	simm.s32 $0x5000;
	[sflag:s1] =	ssyncadd.s32 $0xFFFFEC00  }
0x23: {  	s6 =	sadd.s32 $0x17200, s6;
	s5 =	simm.s32 $0x80;
	[bflag:$0x0] =	sbarrier.arrive $0xFFFF  }
0x24: {  	[spmem:s3] =	stream.indirect.scatter.add.f32 [tilespmem:s2], [sflag:$0x15], $0x8, s31, s5, $0xb8;
	[tilespmem:$0x16C10] =	vst v63  }
0x25: {  	[dreg:$0x6] =	wrdreg s6  }
0x26: {  	s6 =	simm.s32 $0x200;
	_ =	swait.ge [sflag:s1], $0x400  }
.LBB2_1:
0x27: {  	s7 =	sshra.s32 s6, $0x2;
	[sflag:s1] =	ssyncset.done $0x0;
	p0 =	sne.s32 s6, $0x13E00  }
.Ltmp0:
0x28: {  	s7 =	sadd.s32 $0x5000, s7;
	[sflag:s1] =	ssyncadd.s32 $0xFFFFFC00;
	(pc) =	sbr.rel @p0 .LBB2_1-.Ltmp0, $3  }
0x29: {  	[spmem:s3] =	stream.indirect.scatter.add.f32 [tilespmem:s2], [sflag:$0x15], $0x8, s7, s5, $0xb8;
	[tilespmem:$0x16C10] =	vst v63  }
0x2a: {  	s6 =	sadd.s32 $0x200, s6;
	_ =	sdelay $0x1  }
0x2b: {  	_ =	swait.ge [sflag:s1], $0x400  }
0x2c: {  	[sflag:s1] =	ssyncset.done $0x0  }
0x2d: {  	[sflag:s1] =	ssyncadd.s32 $0xFFFFFC00  }
0x2e: {  	[bflag:$0x0] =	sbarrier.arrive $0xFFFF  }
0x2f: {  	s2 =	simm.s32 $0x15;
	s1 =	simm.s32 $0x10800;
	s7 =	rddreg [dreg:$0x7]  }
0x30: {  	[tilespmem:s1], [sflag:$0x15] =	stream.linear.gather [spmem:s7], $0x1400, $0x38;
	[tilespmem:$0x16C10] =	vst v63  }
0x31: {  	_ =	swait.ge [sflag:s2], $0x1400  }
0x32: {  	s5 =	simm.s32 $0x0;
	v0 =	vlaneseq.u32;
	[sflag:s2] =	ssyncset.done $0x0  }
0x33: {  	s6 =	simm.s32 $0x13000;
	v1 =	vor.u32 s5, v0;
	[sflag:s2] =	ssyncadd.s32 $0xFFFFEC00  }
0x34: {  	[spmem:s7] =	stream.linear.scatter [tilespmem:s6], [sflag:$0x15], $0x1400, $0x38;
	[tilespmem:$0x16C10] =	vst v63  }
0x35: {  	_ =	swait.ge [sflag:s2], $0x1400  }
0x36: {  	[sflag:s2] =	ssyncset.done $0x0  }
0x37: {  	[sflag:s2] =	ssyncadd.s32 $0xFFFFEC00  }
0x38: {  	v2 =	vld.idx.msk [tilespmem:v1+s1+$0x0], $0xffff;
	_ =	sdelay $0x4  }
0x39: {  	v2 =	vadd.f32 $1.000000000e+00, v2;
	_ =	sdelay $0x1  }
0x3a: {  	v3 =	vshrl.u32 v2, $0x1;
	v4 =	vmul.f32 $5.000000000e-01, v2  }
0x3b: {  	v3 =	vsub.s32 $0x5F3759DF, v3  }
0x3c: {  	v5 =	vmul.f32 v3, v4;
	_ =	sdelay $0x1  }
0x3d: {  	v5 =	vmul.f32 v3, v5;
	_ =	sdelay $0x1  }
0x3e: {  	v5 =	vsub.f32 $1.500000000e+00, v5;
	_ =	sdelay $0x1  }
0x3f: {  	v3 =	vmul.f32 v3, v5;
	_ =	sdelay $0x1  }
0x40: {  	v5 =	vmul.f32 v3, v4;
	_ =	sdelay $0x1  }
0x41: {  	v5 =	vmul.f32 v5, v3;
	_ =	sdelay $0x1  }
0x42: {  	v5 =	vsub.f32 $1.500000000e+00, v5;
	_ =	sdelay $0x1  }
0x43: {  	v3 =	vmul.f32 v5, v3  }
0x44: {  	(erf) = vrcp.f32 v2  }
0x45: {  	v4 =	vmul.f32 v3, v4;
	_ =	sdelay $0x1  }
0x46: {  	s2 =	simm.s32 $0xCC00;
	v4 =	vmul.f32 v4, v3  }
0x47: {  	v5 =	vld.idx.msk [tilespmem:v1+s2+$0x0], $0xffff  }
0x48: {  	v4 =	vsub.f32 $1.500000000e+00, v4;
	_ =	sdelay $0x1  }
0x49: {  	v3 =	vmul.f32 v4, v3;
	_ =	sdelay $0x1  }
0x4a: {  	v4 =	vpop (erf);
	v5 =	vmul.f32 v3, v5  }
0x4b: {  	v4 =	vmul.f32 $8.999999760e-01, v4  }
0x4c: {  	s5 =	simm.s32 $0xE000;
	[tilespmem:v1+s2+$0x0] =	vst.idx.msk $0xffff, v5;
	v5 =	vmul.f32 $1.000000010e-01, v5  }
0x4d: {  	s9 =	simm.s32 $0x10;
	s6 =	simm.s32 $0xF400;
	v3 =	vmul.f32 v3, v2;
	[tilespmem:v1+s5+$0x0] =	vst.idx.msk $0xffff, v4  }
0x4e: {  	s8 =	simm.s32 $0x20;
	s7 =	simm.s32 $0x11C00;
	v2 =	vor.u32 s9, v0;
	[tilespmem:v1+s6+$0x0] =	vst.idx.msk $0xffff, v5  }
.LBB2_3:
0x4f: {  	p0 =	sne.s32 s8, $0x13F0;
	[tilespmem:v1+s7+$0x0] =	vst.idx.msk $0xffff, v3;
	v1 =	vmov v2;
	s9 =	smov.u32 s8;
	s8 =	sadd.s32 $0x10, s8  }
0x50: {  	v2 =	vld.idx.msk [tilespmem:v2+s1+$0x0], $0xffff;
	_ =	sdelay $0x5  }
0x51: {  	v2 =	vadd.f32 $1.000000000e+00, v2;
	_ =	sdelay $0x1  }
0x52: {  	v3 =	vshrl.u32 v2, $0x1;
	v4 =	vmul.f32 $5.000000000e-01, v2;
	(erf) = vrcp.f32 v2  }
0x53: {  	v3 =	vsub.s32 $0x5F3759DF, v3  }
0x54: {  	v5 =	vmul.f32 v3, v4;
	_ =	sdelay $0x1  }
0x55: {  	v5 =	vmul.f32 v3, v5;
	_ =	sdelay $0x1  }
0x56: {  	v6 =	vsub.f32 $1.500000000e+00, v5;
	_ =	sdelay $0x1  }
0x57: {  	v3 =	vmul.f32 v3, v6  }
0x58: {  	v5 =	vpop (erf)  }
0x59: {  	v6 =	vmul.f32 v3, v4;
	_ =	sdelay $0x1  }
0x5a: {  	v6 =	vmul.f32 v6, v3;
	_ =	sdelay $0x1  }
0x5b: {  	v6 =	vsub.f32 $1.500000000e+00, v6;
	_ =	sdelay $0x1  }
0x5c: {  	v3 =	vmul.f32 v6, v3;
	_ =	sdelay $0x1  }
0x5d: {  	v4 =	vmul.f32 v3, v4;
	_ =	sdelay $0x1  }
0x5e: {  	v4 =	vmul.f32 v4, v3;
	v6 =	vld.idx.msk [tilespmem:v1+s2+$0x0], $0xffff;
	_ =	sdelay $0x1  }
0x5f: {  	v4 =	vsub.f32 $1.500000000e+00, v4;
	_ =	sdelay $0x1  }
0x60: {  	v3 =	vmul.f32 v4, v3;
	_ =	sdelay $0x1  }
.Ltmp1:
0x61: {  	v4 =	vmul.f32 v3, v6;
	v3 =	vmul.f32 v3, v2;
	(pc) =	sbr.rel @p0 .LBB2_3-.Ltmp1, $4  }
0x62: {  	v5 =	vmul.f32 $8.999999760e-01, v5;
	v2 =	vor.u32 s9, v0  }
0x63: {  	[tilespmem:v1+s2+$0x0] =	vst.idx.msk $0xffff, v4;
	v4 =	vmul.f32 $1.000000010e-01, v4  }
0x64: {  	[tilespmem:v1+s5+$0x0] =	vst.idx.msk $0xffff, v5  }
0x65: {  	[tilespmem:v1+s6+$0x0] =	vst.idx.msk $0xffff, v4  }
0x66: {  	_ =	sdelay $0x3  }
0x67: {  	[tilespmem:v1+s7+$0x0] =	vst.idx.msk $0xffff, v3  }
0x68: {  	v0 =	vld.idx.msk [tilespmem:v2+s1+$0x0], $0xffff;
	_ =	sdelay $0x4  }
0x69: {  	v0 =	vadd.f32 $1.000000000e+00, v0;
	_ =	sdelay $0x1  }
0x6a: {  	v1 =	vshrl.u32 v0, $0x1;
	v3 =	vmul.f32 $5.000000000e-01, v0  }
0x6b: {  	v1 =	vsub.s32 $0x5F3759DF, v1  }
0x6c: {  	v4 =	vmul.f32 v1, v3;
	_ =	sdelay $0x1  }
0x6d: {  	v4 =	vmul.f32 v1, v4;
	_ =	sdelay $0x1  }
0x6e: {  	v4 =	vsub.f32 $1.500000000e+00, v4;
	_ =	sdelay $0x1  }
0x6f: {  	v1 =	vmul.f32 v1, v4;
	_ =	sdelay $0x1  }
0x70: {  	v4 =	vmul.f32 v1, v3;
	_ =	sdelay $0x1  }
0x71: {  	v4 =	vmul.f32 v4, v1;
	_ =	sdelay $0x1  }
0x72: {  	v4 =	vsub.f32 $1.500000000e+00, v4;
	_ =	sdelay $0x1  }
0x73: {  	v1 =	vmul.f32 v4, v1  }
0x74: {  	(erf) = vrcp.f32 v0  }
0x75: {  	v3 =	vmul.f32 v1, v3;
	_ =	sdelay $0x1  }
0x76: {  	v3 =	vmul.f32 v3, v1  }
0x77: {  	v63 =	vld.idx.msk [tilespmem:v2+s2+$0x0], $0xffff  }
0x78: {  	v3 =	vsub.f32 $1.500000000e+00, v3;
	_ =	sdelay $0x1  }
0x79: {  	v1 =	vmul.f32 v3, v1;
	_ =	sdelay $0x1  }
0x7a: {  	s0 =	sadd.s32 s0, s4;
	s8 =	simm.s32 $0xCC00;
	v3 =	vpop (erf);
	v4 =	vmul.f32 v1, v63  }
0x7b: {  	s26 =	simm.s32 $0x15;
	s11 =	simm.s32 $0x80;
	s15 =	simm.s32 $0xA800;
	v3 =	vmul.f32 $8.999999760e-01, v3  }
0x7c: {  	s17 =	simm.s32 $0xAC00;
	s19 =	simm.s32 $0xB000;
	s20 =	simm.s32 $0x1;
	[tilespmem:v2+s2+$0x0] =	vst.idx.msk $0xffff, v4;
	v4 =	vmul.f32 $1.000000010e-01, v4  }
0x7d: {  	s21 =	simm.s32 $0xB400;
	s22 =	simm.s32 $0x2;
	s24 =	simm.s32 $0x3;
	v0 =	vmul.f32 v1, v0;
	[tilespmem:v2+s5+$0x0] =	vst.idx.msk $0xffff, v3  }
0x7e: {  	s25 =	simm.s32 $0xBC00;
	s28 =	simm.s32 $0xC000;
	s29 =	simm.s32 $0x5;
	[tilespmem:v2+s6+$0x0] =	vst.idx.msk $0xffff, v4  }
0x7f: {  	s30 =	simm.s32 $0xC400;
	s31 =	simm.s32 $0x6;
	[dreg:$0x8] =	wrdreg s0;
	[tilespmem:v2+s7+$0x0] =	vst.idx.msk $0xffff, v0  }
0x80: {  	[spmem:s0] =	stream.linear.scatter [tilespmem:s8], [sflag:$0x15], $0x1400, $0x38;
	[tilespmem:$0x16C10] =	vst v63  }
0x81: {  	s16 =	simm.s32 $0xF;
	s10 =	simm.s32 $0x10800;
	_ =	swait.ge [sflag:s26], $0x1400  }
0x82: {  	s14 =	simm.s32 $0xE000;
	s18 =	simm.s32 $0xF400;
	[sflag:s26] =	ssyncset.done $0x0  }
0x83: {  	s1 =	simm.s32 $0x8;
	s2 =	simm.s32 $0x0;
	[sflag:s26] =	ssyncadd.s32 $0xFFFFEC00  }
0x84: {  	v0 =	vlaneseq.u32;
	s0 =	simm.s32 $0xA;
	s26 =	simm.s32 $0x4;
	[bflag:$0x0] =	sbarrier.arrive $0xFFFF  }
.LBB2_5:
0x85: {  	s7 =	simm.s32 $0x0;
	s5 =	simm.s32 $0xA000  }
0x86: {  	[tilespmem:s5], [sflag:$0x1] =	stream.indirect.gather [spmem:s4], $0x8, s7, s11, $0xb8;
	[tilespmem:$0x16C10] =	vst v63  }
0x87: {  	s9 =	simm.s32 $0xA400  }
0x88: {  	[tilespmem:s9], [sflag:$0x2] =	stream.indirect.gather [spmem:s4], $0x8, s11, s11, $0xb8;
	[tilespmem:$0x16C10] =	vst v63  }
0x89: {  	s12 =	simm.s32 $0x100  }
0x8a: {  	[tilespmem:s15], [sflag:$0x3] =	stream.indirect.gather [spmem:s4], $0x8, s12, s11, $0xb8;
	[tilespmem:$0x16C10] =	vst v63  }
0x8b: {  	s13 =	simm.s32 $0x180  }
0x8c: {  	[tilespmem:s17], [sflag:$0x4] =	stream.indirect.gather [spmem:s4], $0x8, s13, s11, $0xb8;
	[tilespmem:$0x16C10] =	vst v63  }
0x8d: {  	[dreg:$0x9] =	wrdreg s2;
	s23 =	simm.s32 $0x200;
	s6 =	simm.s32 $0x0  }
0x8e: {  	[tilespmem:s19], [sflag:$0x5] =	stream.indirect.gather [spmem:s4], $0x8, s23, s11, $0xb8;
	[tilespmem:$0x16C10] =	vst v63  }
.LBB2_6:
0x8f: {  	_ =	swait.ge [sflag:s20], $0x400  }
0x90: {  	s5 =	sshra.s32 s6, $0x2;
	s7 =	simm.s32 $0xA000;
	[sflag:s20] =	ssyncset.done $0x0  }
0x91: {  	p0 =	seq.s32 s6, $0x0;
	s2 =	sadd.s32 $0x5000, s5;
	[sflag:s20] =	ssyncadd.s32 $0xFFFFFC00  }
0x92: {  	[spmem:s3] =	stream.indirect.scatter.add.f32 [tilespmem:s7], [sflag:$0xB], $0x8, s2, s11, $0xb8;
	[tilespmem:$0x16C10] =	vst v63  }
0x93: {  	s2 =	simm.s32 @!p0 $0x10  }
0x94: {  	_ =	swait.ge @!p0 [sflag:s2], $0x400  }
0x95: {  	[sflag:s2] =	ssyncset.done @!p0 $0x0  }
0x96: {  	s12 =	sadd.s32 $0x280, s5;
	[sflag:s2] =	ssyncadd.s32 @!p0 $0xFFFFFC00  }
0x97: {  	[tilespmem:s21], [sflag:$0x6] =	stream.indirect.gather [spmem:s4], $0x8, s12, s11, $0xb8;
	[tilespmem:$0x16C10] =	vst v63  }
0x98: {  	_ =	swait.ge [sflag:s22], $0x400  }
0x99: {  	s23 =	simm.s32 $0xA400;
	[sflag:s22] =	ssyncset.done $0x0  }
0x9a: {  	s13 =	sadd.s32 $0x5080, s5;
	s2 =	simm.s32 @!p0 $0x11;
	[sflag:s22] =	ssyncadd.s32 $0xFFFFFC00  }
0x9b: {  	[spmem:s3] =	stream.indirect.scatter.add.f32 [tilespmem:s23], [sflag:$0xC], $0x8, s13, s11, $0xb8;
	[tilespmem:$0x16C10] =	vst v63  }
0x9c: {  	_ =	swait.ge @!p0 [sflag:s2], $0x400  }
0x9d: {  	[sflag:s2] =	ssyncset.done @!p0 $0x0  }
0x9e: {  	s9 =	simm.s32 $0xB800;
	s7 =	sadd.s32 $0x300, s5;
	[sflag:s2] =	ssyncadd.s32 @!p0 $0xFFFFFC00  }
0x9f: {  	[tilespmem:s9], [sflag:$0x7] =	stream.indirect.gather [spmem:s4], $0x8, s7, s11, $0xb8;
	[tilespmem:$0x16C10] =	vst v63  }
0xa0: {  	_ =	swait.ge [sflag:s24], $0x400  }
0xa1: {  	[sflag:s24] =	ssyncset.done $0x0  }
0xa2: {  	s12 =	sadd.s32 $0x5100, s5;
	s2 =	simm.s32 @!p0 $0x12;
	[sflag:s24] =	ssyncadd.s32 $0xFFFFFC00  }
0xa3: {  	[spmem:s3] =	stream.indirect.scatter.add.f32 [tilespmem:s15], [sflag:$0xD], $0x8, s12, s11, $0xb8;
	[tilespmem:$0x16C10] =	vst v63  }
0xa4: {  	_ =	swait.ge @!p0 [sflag:s2], $0x400  }
0xa5: {  	[sflag:s2] =	ssyncset.done @!p0 $0x0  }
0xa6: {  	s13 =	sadd.s32 $0x380, s5;
	[sflag:s2] =	ssyncadd.s32 @!p0 $0xFFFFFC00  }
0xa7: {  	[tilespmem:s25], [sflag:$0x8] =	stream.indirect.gather [spmem:s4], $0x8, s13, s11, $0xb8;
	[tilespmem:$0x16C10] =	vst v63  }
0xa8: {  	_ =	swait.ge [sflag:s26], $0x400  }
0xa9: {  	[sflag:s26] =	ssyncset.done $0x0  }
0xaa: {  	s23 =	sadd.s32 $0x5180, s5;
	s2 =	simm.s32 @!p0 $0x13;
	[sflag:s26] =	ssyncadd.s32 $0xFFFFFC00  }
0xab: {  	[spmem:s3] =	stream.indirect.scatter.add.f32 [tilespmem:s17], [sflag:$0xE], $0x8, s23, s11, $0xb8;
	[tilespmem:$0x16C10] =	vst v63  }
0xac: {  	_ =	swait.ge @!p0 [sflag:s2], $0x400  }
0xad: {  	[sflag:s2] =	ssyncset.done @!p0 $0x0  }
0xae: {  	s7 =	sadd.s32 $0x400, s5;
	[sflag:s2] =	ssyncadd.s32 @!p0 $0xFFFFFC00  }
0xaf: {  	[tilespmem:s28], [sflag:$0x9] =	stream.indirect.gather [spmem:s4], $0x8, s7, s11, $0xb8;
	[tilespmem:$0x16C10] =	vst v63  }
0xb0: {  	_ =	swait.ge [sflag:s29], $0x400  }
0xb1: {  	[sflag:s29] =	ssyncset.done $0x0  }
0xb2: {  	s9 =	sadd.s32 $0x5200, s5;
	s2 =	simm.s32 @!p0 $0x14;
	[sflag:s29] =	ssyncadd.s32 $0xFFFFFC00  }
0xb3: {  	[spmem:s3] =	stream.indirect.scatter.add.f32 [tilespmem:s19], [sflag:$0xF], $0x8, s9, s11, $0xb8;
	[tilespmem:$0x16C10] =	vst v63  }
0xb4: {  	_ =	swait.ge @!p0 [sflag:s2], $0x400  }
0xb5: {  	[sflag:s2] =	ssyncset.done @!p0 $0x0  }
0xb6: {  	s12 =	sadd.s32 $0x480, s5;
	[sflag:s2] =	ssyncadd.s32 @!p0 $0xFFFFFC00  }
0xb7: {  	[tilespmem:s30], [sflag:$0xA] =	stream.indirect.gather [spmem:s4], $0x8, s12, s11, $0xb8;
	[tilespmem:$0x16C10] =	vst v63  }
0xb8: {  	_ =	swait.ge [sflag:s31], $0x400  }
0xb9: {  	p0 =	seq.s32 s6, $0x12C00;
	[sflag:s31] =	ssyncset.done $0x0  }
0xba: {  	s13 =	sadd.s32 $0x5280, s5;
	s2 =	simm.s32 @p0 $0x7;
	[sflag:s31] =	ssyncadd.s32 $0xFFFFFC00  }
0xbb: {  	[spmem:s3] =	stream.indirect.scatter.add.f32 [tilespmem:s21], [sflag:$0x10], $0x8, s13, s11, $0xb8;
	[tilespmem:$0x16C10] =	vst v63  }
0xbc: {  	_ =	swait.ge @p0 [sflag:s2], $0x400  }
0xbd: {  	[sflag:s2] =	ssyncset.done @p0 $0x0  }
0xbe: {  	[sflag:s2] =	ssyncadd.s32 @p0 $0xFFFFFC00;
	s2 =	sshra.s32 @p0 s6, $0x2  }
0xbf: {  	s7 =	simm.s32 @p0 $0x80;
	s12 =	simm.s32 @p0 $0xB800;
	s9 =	sadd.s32 @p0 $0x5300, s2  }
0xc0: {  	[spmem:s3] =	stream.indirect.scatter.add.f32 @p0 [tilespmem:s12], [sflag:$0x11], $0x8, s9, s7, $0xb8;
	[tilespmem:$0x16C10] =	vst v63  }
0xc1: {  	s9 =	simm.s32 @!p0 $0xB  }
0xc2: {  	_ =	swait.ge @!p0 [sflag:s9], $0x400  }
0xc3: {  	[sflag:s9] =	ssyncset.done @!p0 $0x0  }
0xc4: {  	[sflag:s9] =	ssyncadd.s32 @!p0 $0xFFFFFC00;
	s9 =	sshra.s32 @!p0 s6, $0x2  }
0xc5: {  	s23 =	simm.s32 @!p0 $0xA000;
	s13 =	simm.s32 @!p0 $0x80;
	s12 =	sadd.s32 @!p0 $0x500, s9  }
0xc6: {  	[tilespmem:s23], [sflag:$0x1] =	stream.indirect.gather @!p0 [spmem:s4], $0x8, s12, s13, $0xb8;
	[tilespmem:$0x16C10] =	vst v63  }
0xc7: {  	s12 =	simm.s32 @!p0 $0x7  }
0xc8: {  	_ =	swait.ge @!p0 [sflag:s12], $0x400  }
0xc9: {  	[sflag:s12] =	ssyncset.done @!p0 $0x0  }
0xca: {  	s23 =	simm.s32 @!p0 $0xB800;
	[sflag:s12] =	ssyncadd.s32 @!p0 $0xFFFFFC00;
	s12 =	sadd.s32 @!p0 $0x5300, s9  }
0xcb: {  	[spmem:s3] =	stream.indirect.scatter.add.f32 @!p0 [tilespmem:s23], [sflag:$0x11], $0x8, s12, s13, $0xb8;
	[tilespmem:$0x16C10] =	vst v63  }
0xcc: {  	s12 =	simm.s32 @!p0 $0xC  }
0xcd: {  	_ =	swait.ge @!p0 [sflag:s12], $0x400  }
0xce: {  	[sflag:s12] =	ssyncset.done @!p0 $0x0  }
0xcf: {  	s23 =	simm.s32 @!p0 $0xA400;
	[sflag:s12] =	ssyncadd.s32 @!p0 $0xFFFFFC00;
	s12 =	sadd.s32 @!p0 $0x580, s9  }
0xd0: {  	[tilespmem:s23], [sflag:$0x2] =	stream.indirect.gather @!p0 [spmem:s4], $0x8, s12, s13, $0xb8;
	[tilespmem:$0x16C10] =	vst v63  }
0xd1: {  	_ =	swait.ge [sflag:s1], $0x400  }
0xd2: {  	[sflag:s1] =	ssyncset.done $0x0  }
0xd3: {  	s23 =	sadd.s32 $0x5380, s5;
	s12 =	simm.s32 @p0 $0x9;
	[sflag:s1] =	ssyncadd.s32 $0xFFFFFC00  }
0xd4: {  	[spmem:s3] =	stream.indirect.scatter.add.f32 [tilespmem:s25], [sflag:$0x12], $0x8, s23, s11, $0xb8;
	[tilespmem:$0x16C10] =	vst v63  }
0xd5: {  	_ =	swait.ge @p0 [sflag:s12], $0x400  }
0xd6: {  	[sflag:s12] =	ssyncset.done @p0 $0x0  }
0xd7: {  	s2 =	sadd.s32 @p0 $0x5400, s2;
	[sflag:s12] =	ssyncadd.s32 @p0 $0xFFFFFC00;
	s12 =	simm.s32 @p0 $0xC000  }
0xd8: {  	[spmem:s3] =	stream.indirect.scatter.add.f32 @p0 [tilespmem:s12], [sflag:$0x13], $0x8, s2, s7, $0xb8;
	[tilespmem:$0x16C10] =	vst v63  }
0xd9: {  	s2 =	simm.s32 @!p0 $0xD  }
0xda: {  	_ =	swait.ge @!p0 [sflag:s2], $0x400  }
0xdb: {  	[sflag:s2] =	ssyncset.done @!p0 $0x0  }
0xdc: {  	s7 =	simm.s32 @!p0 $0xA800;
	[sflag:s2] =	ssyncadd.s32 @!p0 $0xFFFFFC00;
	s2 =	sadd.s32 @!p0 $0x600, s9  }
0xdd: {  	[tilespmem:s7], [sflag:$0x3] =	stream.indirect.gather @!p0 [spmem:s4], $0x8, s2, s13, $0xb8;
	[tilespmem:$0x16C10] =	vst v63  }
0xde: {  	s2 =	simm.s32 @!p0 $0x9  }
0xdf: {  	_ =	swait.ge @!p0 [sflag:s2], $0x400  }
0xe0: {  	[sflag:s2] =	ssyncset.done @!p0 $0x0  }
0xe1: {  	s7 =	simm.s32 @!p0 $0xC000;
	[sflag:s2] =	ssyncadd.s32 @!p0 $0xFFFFFC00;
	s2 =	sadd.s32 @!p0 $0x5400, s9  }
0xe2: {  	[spmem:s3] =	stream.indirect.scatter.add.f32 @!p0 [tilespmem:s7], [sflag:$0x13], $0x8, s2, s13, $0xb8;
	[tilespmem:$0x16C10] =	vst v63  }
0xe3: {  	s2 =	simm.s32 @!p0 $0xE  }
0xe4: {  	_ =	swait.ge @!p0 [sflag:s2], $0x400  }
0xe5: {  	[sflag:s2] =	ssyncset.done @!p0 $0x0  }
0xe6: {  	s7 =	simm.s32 @!p0 $0xAC00;
	[sflag:s2] =	ssyncadd.s32 @!p0 $0xFFFFFC00;
	s2 =	sadd.s32 @!p0 $0x680, s9  }
0xe7: {  	[tilespmem:s7], [sflag:$0x4] =	stream.indirect.gather @!p0 [spmem:s4], $0x8, s2, s13, $0xb8;
	[tilespmem:$0x16C10] =	vst v63  }
.Ltmp2:
0xe8: {  	_ = 	snop;
	(pc) =	sbr.rel @p0 .LBB2_8-.Ltmp2, $4  }
0xe9: {  	_ =	swait.ge [sflag:s0], $0x400  }
0xea: {  	[sflag:s0] =	ssyncset.done $0x0  }
0xeb: {  	s23 =	sadd.s32 $0x5480, s5;
	[sflag:s0] =	ssyncadd.s32 $0xFFFFFC00  }
0xec: {  	[spmem:s3] =	stream.indirect.scatter.add.f32 [tilespmem:s30], [sflag:$0x14], $0x8, s23, s11, $0xb8;
	[tilespmem:$0x16C10] =	vst v63  }
.Ltmp3:
0xed: {  	(pc) =	sbr.rel .LBB2_6-.Ltmp3, $4  }
0xee: {  	_ =	swait.ge [sflag:s16], $0x400  }
0xef: {  	[sflag:s16] =	ssyncset.done $0x0  }
0xf0: {  	s2 =	sadd.s32 $0x700, s5;
	s6 =	sadd.s32 $0x1400, s6;
	[sflag:s16] =	ssyncadd.s32 $0xFFFFFC00  }
0xf1: {  	[tilespmem:s19], [sflag:$0x5] =	stream.indirect.gather [spmem:s4], $0x8, s2, s11, $0xb8;
	[tilespmem:$0x16C10] =	vst v63  }
.LBB2_8:
0xf2: {  	s2 =	simm.s32 $0xB  }
0xf3: {  	_ =	swait.ge [sflag:s2], $0x400  }
0xf4: {  	[sflag:s2] =	ssyncset.done $0x0  }
0xf5: {  	s9 =	simm.s32 $0xC;
	[sflag:s2] =	ssyncadd.s32 $0xFFFFFC00  }
0xf6: {  	_ =	swait.ge [sflag:s9], $0x400  }
0xf7: {  	[sflag:s9] =	ssyncset.done $0x0  }
0xf8: {  	s12 =	simm.s32 $0xD;
	[sflag:s9] =	ssyncadd.s32 $0xFFFFFC00  }
0xf9: {  	_ =	swait.ge [sflag:s12], $0x400  }
0xfa: {  	[sflag:s12] =	ssyncset.done $0x0  }
0xfb: {  	s13 =	simm.s32 $0xE;
	[sflag:s12] =	ssyncadd.s32 $0xFFFFFC00  }
0xfc: {  	_ =	swait.ge [sflag:s13], $0x400  }
0xfd: {  	[sflag:s13] =	ssyncset.done $0x0  }
0xfe: {  	[sflag:s13] =	ssyncadd.s32 $0xFFFFFC00  }
0xff: {  	_ =	swait.ge [sflag:s16], $0x400  }
0x100: {  	[sflag:s16] =	ssyncset.done $0x0  }
0x101: {  	s23 =	simm.s32 $0x10;
	[sflag:s16] =	ssyncadd.s32 $0xFFFFFC00  }
0x102: {  	_ =	swait.ge [sflag:s23], $0x400  }
0x103: {  	[sflag:s23] =	ssyncset.done $0x0  }
0x104: {  	s5 =	simm.s32 $0x11;
	[sflag:s23] =	ssyncadd.s32 $0xFFFFFC00  }
0x105: {  	_ =	swait.ge [sflag:s5], $0x400  }
0x106: {  	[sflag:s5] =	ssyncset.done $0x0  }
0x107: {  	s6 =	simm.s32 $0x12;
	[sflag:s5] =	ssyncadd.s32 $0xFFFFFC00  }
0x108: {  	_ =	swait.ge [sflag:s6], $0x400  }
0x109: {  	[sflag:s6] =	ssyncset.done $0x0  }
0x10a: {  	s7 =	simm.s32 $0x13;
	[sflag:s6] =	ssyncadd.s32 $0xFFFFFC00  }
0x10b: {  	_ =	swait.ge [sflag:s7], $0x400  }
0x10c: {  	[sflag:s7] =	ssyncset.done $0x0  }
0x10d: {  	s9 =	simm.s32 $0x14;
	[sflag:s7] =	ssyncadd.s32 $0xFFFFFC00  }
0x10e: {  	_ =	swait.ge [sflag:s9], $0x400  }
0x10f: {  	[sflag:s9] =	ssyncset.done $0x0  }
0x110: {  	[sflag:s9] =	ssyncadd.s32 $0xFFFFFC00  }
0x111: {  	[bflag:$0x0] =	sbarrier.arrive $0xFFFF  }
0x112: {  	s6 =	simm.s32 $0x15;
	s5 =	rddreg [dreg:$0x7]  }
0x113: {  	[tilespmem:s10], [sflag:$0x15] =	stream.linear.gather [spmem:s5], $0x1400, $0x38;
	[tilespmem:$0x16C10] =	vst v63  }
0x114: {  	_ =	swait.ge [sflag:s6], $0x1400  }
0x115: {  	s12 =	simm.s32 $0x0;
	[sflag:s6] =	ssyncset.done $0x0  }
0x116: {  	v1 =	vor.u32 s12, v0;
	s13 =	simm.s32 $0x13000;
	[sflag:s6] =	ssyncadd.s32 $0xFFFFEC00  }
0x117: {  	[spmem:s5] =	stream.linear.scatter [tilespmem:s13], [sflag:$0x15], $0x1400, $0x38;
	[tilespmem:$0x16C10] =	vst v63  }
0x118: {  	_ =	swait.ge [sflag:s6], $0x1400  }
0x119: {  	[sflag:s6] =	ssyncset.done $0x0  }
0x11a: {  	[sflag:s6] =	ssyncadd.s32 $0xFFFFEC00  }
0x11b: {  	v2 =	vld.idx.msk [tilespmem:v1+s8+$0x0], $0xffff  }
0x11c: {  	v3 =	vld.idx.msk [tilespmem:v1+s10+$0x0], $0xffff;
	_ =	sdelay $0x2  }
0x11d: {  	v4 =	vld.idx.msk [tilespmem:v1+s14+$0x0], $0xffff;
	_ =	sdelay $0x1  }
0x11e: {  	v5 =	vadd.f32 v2, v3;
	v3 =	vld.idx.msk [tilespmem:v1+s18+$0x0], $0xffff;
	_ =	sdelay $0x2  }
0x11f: {  	s23 =	simm.s32 $0x10;
	v4 =	vmul.f32 v5, v4  }
0x120: {  	s5 =	simm.s32 $0x20;
	v2 =	vor.u32 s23, v0  }
.LBB2_9:
0x121: {  	p0 =	sne.s32 s5, $0x13F0;
	v3 =	vadd.f32 v3, v4;
	_ =	sdelay $0x1  }
0x122: {  	[tilespmem:v1+s8+$0x0] =	vst.idx.msk $0xffff, v3;
	v1 =	vmov v2  }
0x123: {  	v4 =	vld.idx.msk [tilespmem:v2+s8+$0x0], $0xffff  }
0x124: {  	v5 =	vld.idx.msk [tilespmem:v2+s10+$0x0], $0xffff;
	_ =	sdelay $0x1  }
0x125: {  	v6 =	vld.idx.msk [tilespmem:v2+s14+$0x0], $0xffff;
	_ =	sdelay $0x1  }
0x126: {  	v3 =	vld.idx.msk [tilespmem:v2+s18+$0x0], $0xffff  }
.Ltmp4:
0x127: {  	(pc) =	sbr.rel @p0 .LBB2_9-.Ltmp4, $3  }
0x128: {  	v4 =	vadd.f32 v4, v5;
	_ =	sdelay $0x1  }
0x129: {  	v2 =	vor.u32 s5, v0;
	v4 =	vmul.f32 v4, v6  }
0x12a: {  	s5 =	sadd.s32 $0x10, s5  }
0x12b: {  	_ =	sdelay $0x1  }
0x12c: {  	v3 =	vadd.f32 v3, v4;
	_ =	sdelay $0x1  }
0x12d: {  	[tilespmem:v1+s8+$0x0] =	vst.idx.msk $0xffff, v3  }
0x12e: {  	v1 =	vld.idx.msk [tilespmem:v2+s8+$0x0], $0xffff  }
0x12f: {  	v3 =	vld.idx.msk [tilespmem:v2+s10+$0x0], $0xffff;
	_ =	sdelay $0x1  }
0x130: {  	v63 =	vld.idx.msk [tilespmem:v2+s14+$0x0], $0xffff;
	_ =	sdelay $0x1  }
0x131: {  	v5 =	vld.idx.msk [tilespmem:v2+s18+$0x0], $0xffff  }
0x132: {  	v1 =	vadd.f32 v1, v3;
	_ =	sdelay $0x1  }
0x133: {  	v1 =	vmul.f32 v1, v63;
	_ =	sdelay $0x1  }
0x134: {  	v1 =	vadd.f32 v5, v1;
	_ =	sdelay $0x1  }
0x135: {  	s2 =	rddreg [dreg:$0x8];
	[tilespmem:v2+s8+$0x0] =	vst.idx.msk $0xffff, v1  }
0x136: {  	[spmem:s2] =	stream.linear.scatter [tilespmem:s8], [sflag:$0x15], $0x1400, $0x38;
	[tilespmem:$0x16C10] =	vst v63  }
0x137: {  	_ =	swait.ge [sflag:s6], $0x1400  }
0x138: {  	s23 =	rddreg [dreg:$0x9]  }
0x139: {  	s2 =	sadd.s32 $0x1, s23  }
0x13a: {  	p0 =	sne.s32 s2, $0xA  }
.Ltmp5:
0x13b: {  	_ = 	snop;
	(pc) =	sbr.rel @p0 .LBB2_5-.Ltmp5, $3  }
0x13c: {  	[sflag:s6] =	ssyncset.done $0x0  }
0x13d: {  	[sflag:s6] =	ssyncadd.s32 $0xFFFFEC00  }
0x13e: {  	[bflag:$0x0] =	sbarrier.arrive $0xFFFF;
	_ =	sdelay $0x1  }
0x13f: {  	s0 =	simm.s32 $0x0;
	v1 =	vlaneseq.u32  }
0x140: {  	v0 =	vor.u32 s0, v1;
	_ =	sdelay $0x3  }
0x141: {  	s1 =	simm.s32 $0x11C00  }
0x142: {  	s0 =	simm.s32 $0xCC00;
	v4 =	vld.idx.msk [tilespmem:v0+s1+$0x0], $0xffff  }
0x143: {  	v5 =	vld.idx.msk [tilespmem:v0+s0+$0x0], $0xffff;
	_ =	sdelay $0x1  }
0x144: {  	v2 =	vld [tilespmem:$0x14400];
	_ =	sdelay $0x2  }
0x145: {  	s3 =	simm.s32 $0x10;
	v4 =	vmul.f32 v4, v5  }
0x146: {  	s2 =	simm.s32 $0xF400;
	v3 =	vor.u32 s3, v1;
	s3 =	simm.s32 $0x20  }
.LBB2_12:
0x147: {  	p0 =	sne.s32 s3, $0x13F0;
	v4 =	vadd.f32 v4, v2;
	_ =	sdelay $0x1  }
0x148: {  	[tilespmem:v0+s2+$0x0] =	vst.idx.msk $0xffff, v4;
	v0 =	vmov v3  }
0x149: {  	v4 =	vld.idx.msk [tilespmem:v3+s1+$0x0], $0xffff  }
0x14a: {  	v5 =	vld.idx.msk [tilespmem:v3+s0+$0x0], $0xffff;
	_ =	sdelay $0x2  }
.Ltmp6:
0x14b: {  	(pc) =	sbr.rel @p0 .LBB2_12-.Ltmp6, $3  }
0x14c: {  	_ =	sdelay $0x1  }
0x14d: {  	v3 =	vor.u32 s3, v1;
	v4 =	vmul.f32 v4, v5  }
0x14e: {  	s3 =	sadd.s32 $0x10, s3  }
0x14f: {  	_ =	sdelay $0x1  }
0x150: {  	v1 =	vadd.f32 v4, v2;
	_ =	sdelay $0x1  }
0x151: {  	[tilespmem:v0+s2+$0x0] =	vst.idx.msk $0xffff, v1  }
0x152: {  	v0 =	vld.idx.msk [tilespmem:v3+s1+$0x0], $0xffff  }
0x153: {  	v1 =	vld.idx.msk [tilespmem:v3+s0+$0x0], $0xffff;
	_ =	sdelay $0x4  }
0x154: {  	v0 =	vmul.f32 v0, v1;
	_ =	sdelay $0x1  }
0x155: {  	s25 =	rddreg [dreg:$0x5];
	v0 =	vadd.f32 v0, v2  }
0x156: {  	s26 =	rddreg [dreg:$0x6];
	s28 =	simm.s32 $0x0  }
0x157: {  	s29 =	simm.s32 $0xF400;
	s30 =	simm.s32 $0x15;
	s0 =	sadd.s32 s26, s25;
	[tilespmem:v3+s2+$0x0] =	vst.idx.msk $0xffff, v0  }
0x158: {  	[hbm4b:s0+s28] =	stream.linear.scatter [tilespmem:s29], [sflag:$0x15], $0x1400, $0x38;
	[tilespmem:$0x16C10] =	vst v63  }
0x159: {  	_ =	swait.ge [sflag:s30], $0x1400  }
0x15a: {  	[sflag:s30] =	ssyncset.done $0x0  }
0x15b: {  	[sflag:s30] =	ssyncadd.s32 $0xFFFFEC00  }
0x15c: {  	_ =	sfence.sel $0x180000  }
0x15d: {  	[bflag:$0x0] =	sbarrier.arrive $0xFFFF  }
0x15e: {  	_ =	strace $0x90000047  }
0x15f: {  	s31 =	stileid.u32;
	[bflag:$0x2] =	sbarrier.arrive $0xFFFF  }
0x160: {  	p0 =	sne.s32 s31, $0x0;
	s0 =	rddreg [dreg:$0x4]  }
0x161: {  	s0 =	sadd.s32 @!p0 $0x100000, s0  }
0x162: {  	[sflag:s0] =	ssyncadd.tile.s32 @!p0 $0x1;
	_ =	shalt  }
.Lfunc_end2:
_tile_overlayer_lowered:
.L_overlay_start_2:
0x163: {  	(tag) =	ssettag $0x2  }
0x164: {  	s0 =	rddreg [dreg:$0x0];
	s2 =	stileid.u32  }
0x165: {  	s1 =	rddreg [dreg:$0x1];
	p0 =	sne.s32 s2, $0x0  }
0x166: {  	s3 =	rddreg [dreg:$0x2];
	[bflag:$0x3] =	sbarrier.arrive $0xFFFF;
	s2 =	simm.s32 @!p0 $0x1C15  }
0x167: {  	[timem:s3], [sflag:s2] =	dma.local @!p0 [hbm:s0], s1  }
0x168: {  	s0 =	simm.s32 @!p0 $0x15  }
0x169: {  	_ =	swait.ge @!p0 [sflag:s0], s1  }
0x16a: {  	s1 =	ssub.s32 @!p0 $0x0, s1;
	[sflag:s0] =	ssyncset.done @!p0 $0x0  }
0x16b: {  	[sflag:s0] =	ssyncadd.s32 @!p0 s1  }
0x16c: {  	[bflag:$0x3] =	sbarrier.arrive $0xFFFF  }
0x16d: {  	_ =	shalt  }

</sc_bundles>
